<compile_context>
chip_gen: v7x
topology: tpu7x:2x2x1
jax: 0.10.2.dev20260603
libtpu: 0.0.44.dev20260713+nightly
codegen_flags: <defaults>
</compile_context>

<pallas_src>
import functools

import jax
import jax.numpy as jnp
from jax import lax
from jax.experimental import pallas as pl
from jax.experimental.pallas import tpu as pltpu
from jax.experimental.pallas import tpu_sc as plsc

DIM = 32
LANES = 128
K = 5
SLAB = K * LANES
NSUB = 16


def _make_kernel(num_rows: int, rows_per_w: int, vpad: int):
    mesh = plsc.VectorSubcoreMesh(core_axis_name="c", subcore_axis_name="s")
    info = plsc.get_sparse_core_info()
    nc = info.num_cores
    num_chunks = rows_per_w // K
    assert num_chunks % 2 == 0 and num_chunks * K == rows_per_w
    n_super = num_chunks // 2
    stage_rows = vpad // NSUB

    @functools.partial(
        pl.kernel,
        mesh=mesh,
        compiler_params=pltpu.CompilerParams(use_tc_tiling_on_sc=False),
        out_type=jax.ShapeDtypeStruct((num_rows * LANES, DIM), jnp.float32),
        scratch_types=[
            pltpu.VMEM_SHARED((vpad, DIM), jnp.float32),
            pltpu.VMEM((rows_per_w, LANES), jnp.int32),
            pltpu.VMEM((SLAB, DIM), jnp.float32),
            pltpu.VMEM((SLAB, DIM), jnp.float32),
            pltpu.SemaphoreType.DMA,
            pltpu.SemaphoreType.DMA,
            pltpu.SemaphoreType.DMA,
            pltpu.SemaphoreType.DMA,
        ],
    )
    def k(tokens_hbm, table_hbm, out_hbm, tab_s, idx_v, buf_a, buf_b, ga, gb, wa, wb):
        cid = lax.axis_index("c")
        sid = lax.axis_index("s")
        wid = sid * nc + cid
        base_row = wid * rows_per_w
        tok0 = base_row * LANES

        hstage = pltpu.async_copy(
            table_hbm.at[pl.ds(sid * stage_rows, stage_rows)],
            tab_s.at[pl.ds(sid * stage_rows, stage_rows)],
            ga,
        )
        pltpu.sync_copy(tokens_hbm.at[pl.ds(base_row, rows_per_w)], idx_v)
        hstage.wait()
        plsc.subcore_barrier()

        def fire(c, buf, gsem):
            hs = []
            for b in range(K):
                hs.append(
                    pltpu.async_copy(
                        tab_s.at[idx_v.at[c * K + b]],
                        buf.at[pl.ds(b * LANES, LANES)],
                        gsem,
                    )
                )
            return hs

        def body(s, _):
            ca = 2 * s
            cb = 2 * s + 1

            @pl.when(s > 0)
            def _():
                pltpu.make_async_copy(buf_a, out_hbm.at[pl.ds(0, SLAB)], wa).wait()

            ha = fire(ca, buf_a, ga)

            @pl.when(s > 0)
            def _():
                pltpu.make_async_copy(buf_b, out_hbm.at[pl.ds(0, SLAB)], wb).wait()

            hb = fire(cb, buf_b, gb)
            for h in ha:
                h.wait()
            pltpu.async_copy(buf_a, out_hbm.at[pl.ds(tok0 + ca * SLAB, SLAB)], wa)
            for h in hb:
                h.wait()
            pltpu.async_copy(buf_b, out_hbm.at[pl.ds(tok0 + cb * SLAB, SLAB)], wb)
            return 0

        lax.fori_loop(0, n_super, body, 0)
        pltpu.make_async_copy(buf_a, out_hbm.at[pl.ds(0, SLAB)], wa).wait()
        pltpu.make_async_copy(buf_b, out_hbm.at[pl.ds(0, SLAB)], wb).wait()

    return k


def kernel(tokens, table):
    b, t = tokens.shape
    n = b * t
    num_rows = n // LANES
    nw = 32
    rows_per_w = num_rows // nw
    idx = tokens.reshape(num_rows, LANES).astype(jnp.int32)
    v = table.shape[0]
    vpad = ((v + NSUB * 8 - 1) // (NSUB * 8)) * (NSUB * 8)
    tab = jnp.pad(table, ((0, vpad - v), (0, 0)))
    out = _make_kernel(num_rows, rows_per_w, vpad)(idx, tab)
    return out.reshape(b, t, DIM)

# --- scband reference (transcript-rebuilt; emitter-appended) ---
"""Pipeline reference for scband-vocabulary-15487652069648 (READ-ONLY COPY).

The authoritative reference and input builder live on the scoring server;
editing this copy changes nothing except your own understanding.
"""

import jax, jax.numpy as jnp
import numpy as np

VOCAB_SIZE = 28996  # bert-base-cased tokenizer vocab_size
EMBED_DIM = 32

def setup_inputs(seed: int = 0) -> dict:
    key = jax.random.key(seed)
    k1, k2 = jax.random.split(key)
    tokens = jax.random.randint(k1, (4096, 200), 0, VOCAB_SIZE, dtype=jnp.int64 if jax.config.jax_enable_x64 else jnp.int32)
    table = jax.random.normal(k2, (VOCAB_SIZE, EMBED_DIM), dtype=jnp.float32)
    return {"tokens": tokens, "table": table}

def reference(tokens, table):
    # Faithful translation: nn.Embedding lookup of token ids
    return jnp.take(table, tokens, axis=0)

if __name__ == "__main__":
    import jax
    _d = setup_inputs()
    print(jax.jit(kernel)(*tuple(_d.values())))

</pallas_src>

<mosaic_0001>
#map = affine_map<(d0, d1) -> (0, 0)>
module attributes {stable_mosaic.version = 14 : i64} {
  func.func @k(%arg0: i32, %arg1: i32, %arg2: memref<6400x128xi32, #tpu.memory_space<hbm>>, %arg3: memref<29056x32xf32, #tpu.memory_space<hbm>>, %arg4: memref<819200x32xf32, #tpu.memory_space<hbm>>, %arg5: memref<29056x32xf32, #tpu.memory_space<vmem_shared>>, %arg6: memref<200x128xi32, #tpu.memory_space<vmem>>, %arg7: memref<640x32xf32, #tpu.memory_space<vmem>>, %arg8: memref<640x32xf32, #tpu.memory_space<vmem>>, %arg9: memref<!tpu.dma_semaphore, #tpu.memory_space<semaphore_mem>>, %arg10: memref<!tpu.dma_semaphore, #tpu.memory_space<semaphore_mem>>, %arg11: memref<!tpu.dma_semaphore, #tpu.memory_space<semaphore_mem>>, %arg12: memref<!tpu.dma_semaphore, #tpu.memory_space<semaphore_mem>>) attributes {dimension_semantics = [#tpu.dimension_semantics<core_parallel>, #tpu.dimension_semantics<subcore_parallel>], iteration_bounds = array<i64: 2, 16>, scalar_prefetch = 0 : i64, scratch_operands = 8 : i64, tpu.core_type = #tpu.core_type<sc_vector_subcore>, window_params = [{transform_indices = #map}, {transform_indices = #map}, {transform_indices = #map}]} {
    %mul3A = arith.constant 2 : i32
    %mul3A_0 = arith.muli %arg1, %mul3A : i32
    %add3A = arith.addi %mul3A_0, %arg0 : i32
    %mul3A_1 = arith.constant 200 : i32
    %mul3A_2 = arith.muli %add3A, %mul3A_1 : i32
    %mul3A_3 = arith.constant 128 : i32
    %mul3A_4 = arith.muli %mul3A_2, %mul3A_3 : i32
    %mul3A_5 = arith.constant 1816 : i32
    %mul3A_6 = arith.muli %arg1, %mul3A_5 : i32
    %mul3A_7 = arith.constant 1816 : i32
    %mul3A_8 = arith.muli %arg1, %mul3A_7 : i32
    %dma_start3A = arith.constant 0 : i32
    %dma_start3A_9 = tpu.memref_slice %arg5[%mul3A_8, %dma_start3A] : memref<29056x32xf32, #tpu.memory_space<vmem_shared>> -> memref<1816x32xf32, #tpu.memory_space<vmem_shared>>
    %dma_start3A_10 = arith.constant 0 : i32
    %dma_start3A_11 = tpu.memref_slice %arg3[%mul3A_6, %dma_start3A_10] : memref<29056x32xf32, #tpu.memory_space<hbm>> -> memref<1816x32xf32, #tpu.memory_space<hbm>>
    tpu.enqueue_dma source(%dma_start3A_11 : memref<1816x32xf32, #tpu.memory_space<hbm>>) target(%dma_start3A_9 : memref<1816x32xf32, #tpu.memory_space<vmem_shared>>) target_semaphore(%arg9 : memref<!tpu.dma_semaphore, #tpu.memory_space<semaphore_mem>>)
    "tpu.region"() ({
      %run_scoped3A = tpu.sem_alloc : memref<!tpu.dma_semaphore, #tpu.memory_space<semaphore_mem>>
      %dma_start3A_33 = arith.constant 0 : i32
      %dma_start3A_34 = tpu.memref_slice %arg2[%mul3A_2, %dma_start3A_33] : memref<6400x128xi32, #tpu.memory_space<hbm>> -> memref<200x128xi32, #tpu.memory_space<hbm>>
      %dma_start3A_35 = arith.constant 0 : i32
      %dma_start3A_36 = tpu.memref_slice %arg2[%mul3A_2, %dma_start3A_35] : memref<6400x128xi32, #tpu.memory_space<hbm>> -> memref<200x128xi32, #tpu.memory_space<hbm>>
      tpu.enqueue_dma source(%dma_start3A_36 : memref<200x128xi32, #tpu.memory_space<hbm>>) target(%arg6 : memref<200x128xi32, #tpu.memory_space<vmem>>) target_semaphore(%run_scoped3A : memref<!tpu.dma_semaphore, #tpu.memory_space<semaphore_mem>>)
      %dma_wait3A_37 = arith.constant 0 : i32
      %dma_wait3A_38 = tpu.memref_slice %arg2[%mul3A_2, %dma_wait3A_37] : memref<6400x128xi32, #tpu.memory_space<hbm>> -> memref<200x128xi32, #tpu.memory_space<hbm>>
      %dma_wait3A_39 = arith.constant 0 : i32
      %dma_wait3A_40 = tpu.memref_slice %arg2[%mul3A_2, %dma_wait3A_39] : memref<6400x128xi32, #tpu.memory_space<hbm>> -> memref<200x128xi32, #tpu.memory_space<hbm>>
      tpu.wait_dma2 semaphore(%run_scoped3A : memref<!tpu.dma_semaphore, #tpu.memory_space<semaphore_mem>>) src(%dma_wait3A_40 : memref<200x128xi32, #tpu.memory_space<hbm>>) dst(%arg6 : memref<200x128xi32, #tpu.memory_space<vmem>>)
      tpu.yield
    }) : () -> ()
    %dma_wait3A = arith.constant 0 : i32
    %dma_wait3A_12 = tpu.memref_slice %arg5[%mul3A_8, %dma_wait3A] : memref<29056x32xf32, #tpu.memory_space<vmem_shared>> -> memref<1816x32xf32, #tpu.memory_space<vmem_shared>>
    %dma_wait3A_13 = arith.constant 0 : i32
    %dma_wait3A_14 = tpu.memref_slice %arg3[%mul3A_6, %dma_wait3A_13] : memref<29056x32xf32, #tpu.memory_space<hbm>> -> memref<1816x32xf32, #tpu.memory_space<hbm>>
    tpu.wait_dma2 semaphore(%arg9 : memref<!tpu.dma_semaphore, #tpu.memory_space<semaphore_mem>>) src(%dma_wait3A_14 : memref<1816x32xf32, #tpu.memory_space<hbm>>) dst(%dma_wait3A_12 : memref<1816x32xf32, #tpu.memory_space<vmem_shared>>)
    %barrier3A = arith.constant 0 : index
    tpu.barrier barrier_id(%barrier3A)
    %scan3A = arith.constant 0 : i32
    %scan3A_15 = arith.constant 0 : i32
    %scan3A_16 = arith.constant 20 : i32
    %scan3A_17 = arith.addi %scan3A_15, %scan3A_16 : i32
    %scan3A_18 = arith.constant 1 : i32
    %scan3A_19 = scf.for %scan3A_33 = %scan3A_15 to %scan3A_17 step %scan3A_18 iter_args(%scan3A_34 = %scan3A) -> (i32)  : i32 {
      %mul3A_35 = arith.constant 2 : i32
      %mul3A_36 = arith.muli %mul3A_35, %scan3A_33 : i32
      %mul3A_37 = arith.constant 2 : i32
      %mul3A_38 = arith.muli %mul3A_37, %scan3A_33 : i32
      %add3A_39 = arith.constant 1 : i32
      %add3A_40 = arith.addi %mul3A_38, %add3A_39 : i32
      %gt3A = arith.constant 0 : i32
      %gt3A_41 = arith.cmpi sgt, %scan3A_33, %gt3A : i32
      %convert_element_type3A = arith.extui %gt3A_41 : i1 to i32
      %cond3A = arith.constant 0 : i32
      %cond3A_42 = arith.cmpi ne, %convert_element_type3A, %cond3A : i32
      scf.if %cond3A_42 {
        %dma_wait3A_283 = arith.constant 0 : i32
        %dma_wait3A_284 = arith.constant 0 : i32
        %dma_wait3A_285 = tpu.memref_slice %arg4[%dma_wait3A_283, %dma_wait3A_284] : memref<819200x32xf32, #tpu.memory_space<hbm>> -> memref<640x32xf32, #tpu.memory_space<hbm>>
        %dma_wait3A_286 = arith.constant 0 : i32
        %dma_wait3A_287 = arith.constant 0 : i32
        %dma_wait3A_288 = tpu.memref_slice %arg4[%dma_wait3A_286, %dma_wait3A_287] : memref<819200x32xf32, #tpu.memory_space<hbm>> -> memref<640x32xf32, #tpu.memory_space<hbm>>
        tpu.wait_dma2 semaphore(%arg11 : memref<!tpu.dma_semaphore, #tpu.memory_space<semaphore_mem>>) src(%arg7 : memref<640x32xf32, #tpu.memory_space<vmem>>) dst(%dma_wait3A_288 : memref<640x32xf32, #tpu.memory_space<hbm>>)
      } else {
      }
      %mul3A_43 = arith.constant 5 : i32
      %mul3A_44 = arith.muli %mul3A_36, %mul3A_43 : i32
      %add3A_45 = arith.constant 0 : i32
      %add3A_46 = arith.addi %mul3A_44, %add3A_45 : i32
      %dma_start3A_47 = arith.constant 0 : i32
      %dma_start3A_48 = arith.constant 0 : i32
      %dma_start3A_49 = tpu.memref_slice %arg7[%dma_start3A_47, %dma_start3A_48] : memref<640x32xf32, #tpu.memory_space<vmem>> -> memref<128x32xf32, #tpu.memory_space<vmem>>
      %dma_start3A_50 = arith.constant 0 : i32
      %dma_start3A_51 = tpu.memref_slice %arg6[%add3A_46, %dma_start3A_50] : memref<200x128xi32, #tpu.memory_space<vmem>> -> memref<1x128xi32, #tpu.memory_space<vmem>>
      %dma_start3A_52 = tpu.memref_squeeze %dma_start3A_51 : memref<1x128xi32, #tpu.memory_space<vmem>> -> memref<128xi32, #tpu.memory_space<vmem>>
      %dma_start3A_53 = arith.constant 0 : i32
      %dma_start3A_54 = arith.constant 0 : i32
      %dma_start3A_55 = tpu.memref_slice %arg5[%dma_start3A_53, %dma_start3A_54] : memref<29056x32xf32, #tpu.memory_space<vmem_shared>> -> memref<29056x32xf32, #tpu.memory_space<vmem_shared>>
      tpu.enqueue_indirect_dma source(%dma_start3A_55 : memref<29056x32xf32, #tpu.memory_space<vmem_shared>>) target(%dma_start3A_49 : memref<128x32xf32, #tpu.memory_space<vmem>>) offsets(%dma_start3A_52 : memref<128xi32, #tpu.memory_space<vmem>>) semaphore(%arg9 : memref<!tpu.dma_semaphore, #tpu.memory_space<semaphore_mem>>)
      %mul3A_56 = arith.constant 5 : i32
      %mul3A_57 = arith.muli %mul3A_36, %mul3A_56 : i32
      %add3A_58 = arith.constant 1 : i32
      %add3A_59 = arith.addi %mul3A_57, %add3A_58 : i32
      %dma_start3A_60 = arith.constant 128 : i32
      %dma_start3A_61 = arith.constant 0 : i32
      %dma_start3A_62 = tpu.memref_slice %arg7[%dma_start3A_60, %dma_start3A_61] : memref<640x32xf32, #tpu.memory_space<vmem>> -> memref<128x32xf32, #tpu.memory_space<vmem>>
      %dma_start3A_63 = arith.constant 0 : i32
      %dma_start3A_64 = tpu.memref_slice %arg6[%add3A_59, %dma_start3A_63] : memref<200x128xi32, #tpu.memory_space<vmem>> -> memref<1x128xi32, #tpu.memory_space<vmem>>
      %dma_start3A_65 = tpu.memref_squeeze %dma_start3A_64 : memref<1x128xi32, #tpu.memory_space<vmem>> -> memref<128xi32, #tpu.memory_space<vmem>>
      %dma_start3A_66 = arith.constant 0 : i32
      %dma_start3A_67 = arith.constant 0 : i32
      %dma_start3A_68 = tpu.memref_slice %arg5[%dma_start3A_66, %dma_start3A_67] : memref<29056x32xf32, #tpu.memory_space<vmem_shared>> -> memref<29056x32xf32, #tpu.memory_space<vmem_shared>>
      tpu.enqueue_indirect_dma source(%dma_start3A_68 : memref<29056x32xf32, #tpu.memory_space<vmem_shared>>) target(%dma_start3A_62 : memref<128x32xf32, #tpu.memory_space<vmem>>) offsets(%dma_start3A_65 : memref<128xi32, #tpu.memory_space<vmem>>) semaphore(%arg9 : memref<!tpu.dma_semaphore, #tpu.memory_space<semaphore_mem>>)
      %mul3A_69 = arith.constant 5 : i32
      %mul3A_70 = arith.muli %mul3A_36, %mul3A_69 : i32
      %add3A_71 = arith.constant 2 : i32
      %add3A_72 = arith.addi %mul3A_70, %add3A_71 : i32
      %dma_start3A_73 = arith.constant 256 : i32
      %dma_start3A_74 = arith.constant 0 : i32
      %dma_start3A_75 = tpu.memref_slice %arg7[%dma_start3A_73, %dma_start3A_74] : memref<640x32xf32, #tpu.memory_space<vmem>> -> memref<128x32xf32, #tpu.memory_space<vmem>>
      %dma_start3A_76 = arith.constant 0 : i32
      %dma_start3A_77 = tpu.memref_slice %arg6[%add3A_72, %dma_start3A_76] : memref<200x128xi32, #tpu.memory_space<vmem>> -> memref<1x128xi32, #tpu.memory_space<vmem>>
      %dma_start3A_78 = tpu.memref_squeeze %dma_start3A_77 : memref<1x128xi32, #tpu.memory_space<vmem>> -> memref<128xi32, #tpu.memory_space<vmem>>
      %dma_start3A_79 = arith.constant 0 : i32
      %dma_start3A_80 = arith.constant 0 : i32
      %dma_start3A_81 = tpu.memref_slice %arg5[%dma_start3A_79, %dma_start3A_80] : memref<29056x32xf32, #tpu.memory_space<vmem_shared>> -> memref<29056x32xf32, #tpu.memory_space<vmem_shared>>
      tpu.enqueue_indirect_dma source(%dma_start3A_81 : memref<29056x32xf32, #tpu.memory_space<vmem_shared>>) target(%dma_start3A_75 : memref<128x32xf32, #tpu.memory_space<vmem>>) offsets(%dma_start3A_78 : memref<128xi32, #tpu.memory_space<vmem>>) semaphore(%arg9 : memref<!tpu.dma_semaphore, #tpu.memory_space<semaphore_mem>>)
      %mul3A_82 = arith.constant 5 : i32
      %mul3A_83 = arith.muli %mul3A_36, %mul3A_82 : i32
      %add3A_84 = arith.constant 3 : i32
      %add3A_85 = arith.addi %mul3A_83, %add3A_84 : i32
      %dma_start3A_86 = arith.constant 384 : i32
      %dma_start3A_87 = arith.constant 0 : i32
      %dma_start3A_88 = tpu.memref_slice %arg7[%dma_start3A_86, %dma_start3A_87] : memref<640x32xf32, #tpu.memory_space<vmem>> -> memref<128x32xf32, #tpu.memory_space<vmem>>
      %dma_start3A_89 = arith.constant 0 : i32
      %dma_start3A_90 = tpu.memref_slice %arg6[%add3A_85, %dma_start3A_89] : memref<200x128xi32, #tpu.memory_space<vmem>> -> memref<1x128xi32, #tpu.memory_space<vmem>>
      %dma_start3A_91 = tpu.memref_squeeze %dma_start3A_90 : memref<1x128xi32, #tpu.memory_space<vmem>> -> memref<128xi32, #tpu.memory_space<vmem>>
      %dma_start3A_92 = arith.constant 0 : i32
      %dma_start3A_93 = arith.constant 0 : i32
      %dma_start3A_94 = tpu.memref_slice %arg5[%dma_start3A_92, %dma_start3A_93] : memref<29056x32xf32, #tpu.memory_space<vmem_shared>> -> memref<29056x32xf32, #tpu.memory_space<vmem_shared>>
      tpu.enqueue_indirect_dma source(%dma_start3A_94 : memref<29056x32xf32, #tpu.memory_space<vmem_shared>>) target(%dma_start3A_88 : memref<128x32xf32, #tpu.memory_space<vmem>>) offsets(%dma_start3A_91 : memref<128xi32, #tpu.memory_space<vmem>>) semaphore(%arg9 : memref<!tpu.dma_semaphore, #tpu.memory_space<semaphore_mem>>)
      %mul3A_95 = arith.constant 5 : i32
      %mul3A_96 = arith.muli %mul3A_36, %mul3A_95 : i32
      %add3A_97 = arith.constant 4 : i32
      %add3A_98 = arith.addi %mul3A_96, %add3A_97 : i32
      %dma_start3A_99 = arith.constant 512 : i32
      %dma_start3A_100 = arith.constant 0 : i32
      %dma_start3A_101 = tpu.memref_slice %arg7[%dma_start3A_99, %dma_start3A_100] : memref<640x32xf32, #tpu.memory_space<vmem>> -> memref<128x32xf32, #tpu.memory_space<vmem>>
      %dma_start3A_102 = arith.constant 0 : i32
      %dma_start3A_103 = tpu.memref_slice %arg6[%add3A_98, %dma_start3A_102] : memref<200x128xi32, #tpu.memory_space<vmem>> -> memref<1x128xi32, #tpu.memory_space<vmem>>
      %dma_start3A_104 = tpu.memref_squeeze %dma_start3A_103 : memref<1x128xi32, #tpu.memory_space<vmem>> -> memref<128xi32, #tpu.memory_space<vmem>>
      %dma_start3A_105 = arith.constant 0 : i32
      %dma_start3A_106 = arith.constant 0 : i32
      %dma_start3A_107 = tpu.memref_slice %arg5[%dma_start3A_105, %dma_start3A_106] : memref<29056x32xf32, #tpu.memory_space<vmem_shared>> -> memref<29056x32xf32, #tpu.memory_space<vmem_shared>>
      tpu.enqueue_indirect_dma source(%dma_start3A_107 : memref<29056x32xf32, #tpu.memory_space<vmem_shared>>) target(%dma_start3A_101 : memref<128x32xf32, #tpu.memory_space<vmem>>) offsets(%dma_start3A_104 : memref<128xi32, #tpu.memory_space<vmem>>) semaphore(%arg9 : memref<!tpu.dma_semaphore, #tpu.memory_space<semaphore_mem>>)
      %gt3A_108 = arith.constant 0 : i32
      %gt3A_109 = arith.cmpi sgt, %scan3A_33, %gt3A_108 : i32
      %convert_element_type3A_110 = arith.extui %gt3A_109 : i1 to i32
      %cond3A_111 = arith.constant 0 : i32
      %cond3A_112 = arith.cmpi ne, %convert_element_type3A_110, %cond3A_111 : i32
      scf.if %cond3A_112 {
        %dma_wait3A_283 = arith.constant 0 : i32
        %dma_wait3A_284 = arith.constant 0 : i32
        %dma_wait3A_285 = tpu.memref_slice %arg4[%dma_wait3A_283, %dma_wait3A_284] : memref<819200x32xf32, #tpu.memory_space<hbm>> -> memref<640x32xf32, #tpu.memory_space<hbm>>
        %dma_wait3A_286 = arith.constant 0 : i32
        %dma_wait3A_287 = arith.constant 0 : i32
        %dma_wait3A_288 = tpu.memref_slice %arg4[%dma_wait3A_286, %dma_wait3A_287] : memref<819200x32xf32, #tpu.memory_space<hbm>> -> memref<640x32xf32, #tpu.memory_space<hbm>>
        tpu.wait_dma2 semaphore(%arg12 : memref<!tpu.dma_semaphore, #tpu.memory_space<semaphore_mem>>) src(%arg8 : memref<640x32xf32, #tpu.memory_space<vmem>>) dst(%dma_wait3A_288 : memref<640x32xf32, #tpu.memory_space<hbm>>)
      } else {
      }
      %mul3A_113 = arith.constant 5 : i32
      %mul3A_114 = arith.muli %add3A_40, %mul3A_113 : i32
      %add3A_115 = arith.constant 0 : i32
      %add3A_116 = arith.addi %mul3A_114, %add3A_115 : i32
      %dma_start3A_117 = arith.constant 0 : i32
      %dma_start3A_118 = arith.constant 0 : i32
      %dma_start3A_119 = tpu.memref_slice %arg8[%dma_start3A_117, %dma_start3A_118] : memref<640x32xf32, #tpu.memory_space<vmem>> -> memref<128x32xf32, #tpu.memory_space<vmem>>
      %dma_start3A_120 = arith.constant 0 : i32
      %dma_start3A_121 = tpu.memref_slice %arg6[%add3A_116, %dma_start3A_120] : memref<200x128xi32, #tpu.memory_space<vmem>> -> memref<1x128xi32, #tpu.memory_space<vmem>>
      %dma_start3A_122 = tpu.memref_squeeze %dma_start3A_121 : memref<1x128xi32, #tpu.memory_space<vmem>> -> memref<128xi32, #tpu.memory_space<vmem>>
      %dma_start3A_123 = arith.constant 0 : i32
      %dma_start3A_124 = arith.constant 0 : i32
      %dma_start3A_125 = tpu.memref_slice %arg5[%dma_start3A_123, %dma_start3A_124] : memref<29056x32xf32, #tpu.memory_space<vmem_shared>> -> memref<29056x32xf32, #tpu.memory_space<vmem_shared>>
      tpu.enqueue_indirect_dma source(%dma_start3A_125 : memref<29056x32xf32, #tpu.memory_space<vmem_shared>>) target(%dma_start3A_119 : memref<128x32xf32, #tpu.memory_space<vmem>>) offsets(%dma_start3A_122 : memref<128xi32, #tpu.memory_space<vmem>>) semaphore(%arg10 : memref<!tpu.dma_semaphore, #tpu.memory_space<semaphore_mem>>)
      %mul3A_126 = arith.constant 5 : i32
      %mul3A_127 = arith.muli %add3A_40, %mul3A_126 : i32
      %add3A_128 = arith.constant 1 : i32
      %add3A_129 = arith.addi %mul3A_127, %add3A_128 : i32
      %dma_start3A_130 = arith.constant 128 : i32
      %dma_start3A_131 = arith.constant 0 : i32
      %dma_start3A_132 = tpu.memref_slice %arg8[%dma_start3A_130, %dma_start3A_131] : memref<640x32xf32, #tpu.memory_space<vmem>> -> memref<128x32xf32, #tpu.memory_space<vmem>>
      %dma_start3A_133 = arith.constant 0 : i32
      %dma_start3A_134 = tpu.memref_slice %arg6[%add3A_129, %dma_start3A_133] : memref<200x128xi32, #tpu.memory_space<vmem>> -> memref<1x128xi32, #tpu.memory_space<vmem>>
      %dma_start3A_135 = tpu.memref_squeeze %dma_start3A_134 : memref<1x128xi32, #tpu.memory_space<vmem>> -> memref<128xi32, #tpu.memory_space<vmem>>
      %dma_start3A_136 = arith.constant 0 : i32
      %dma_start3A_137 = arith.constant 0 : i32
      %dma_start3A_138 = tpu.memref_slice %arg5[%dma_start3A_136, %dma_start3A_137] : memref<29056x32xf32, #tpu.memory_space<vmem_shared>> -> memref<29056x32xf32, #tpu.memory_space<vmem_shared>>
      tpu.enqueue_indirect_dma source(%dma_start3A_138 : memref<29056x32xf32, #tpu.memory_space<vmem_shared>>) target(%dma_start3A_132 : memref<128x32xf32, #tpu.memory_space<vmem>>) offsets(%dma_start3A_135 : memref<128xi32, #tpu.memory_space<vmem>>) semaphore(%arg10 : memref<!tpu.dma_semaphore, #tpu.memory_space<semaphore_mem>>)
      %mul3A_139 = arith.constant 5 : i32
      %mul3A_140 = arith.muli %add3A_40, %mul3A_139 : i32
      %add3A_141 = arith.constant 2 : i32
      %add3A_142 = arith.addi %mul3A_140, %add3A_141 : i32
      %dma_start3A_143 = arith.constant 256 : i32
      %dma_start3A_144 = arith.constant 0 : i32
      %dma_start3A_145 = tpu.memref_slice %arg8[%dma_start3A_143, %dma_start3A_144] : memref<640x32xf32, #tpu.memory_space<vmem>> -> memref<128x32xf32, #tpu.memory_space<vmem>>
      %dma_start3A_146 = arith.constant 0 : i32
      %dma_start3A_147 = tpu.memref_slice %arg6[%add3A_142, %dma_start3A_146] : memref<200x128xi32, #tpu.memory_space<vmem>> -> memref<1x128xi32, #tpu.memory_space<vmem>>
      %dma_start3A_148 = tpu.memref_squeeze %dma_start3A_147 : memref<1x128xi32, #tpu.memory_space<vmem>> -> memref<128xi32, #tpu.memory_space<vmem>>
      %dma_start3A_149 = arith.constant 0 : i32
      %dma_start3A_150 = arith.constant 0 : i32
      %dma_start3A_151 = tpu.memref_slice %arg5[%dma_start3A_149, %dma_start3A_150] : memref<29056x32xf32, #tpu.memory_space<vmem_shared>> -> memref<29056x32xf32, #tpu.memory_space<vmem_shared>>
      tpu.enqueue_indirect_dma source(%dma_start3A_151 : memref<29056x32xf32, #tpu.memory_space<vmem_shared>>) target(%dma_start3A_145 : memref<128x32xf32, #tpu.memory_space<vmem>>) offsets(%dma_start3A_148 : memref<128xi32, #tpu.memory_space<vmem>>) semaphore(%arg10 : memref<!tpu.dma_semaphore, #tpu.memory_space<semaphore_mem>>)
      %mul3A_152 = arith.constant 5 : i32
      %mul3A_153 = arith.muli %add3A_40, %mul3A_152 : i32
      %add3A_154 = arith.constant 3 : i32
      %add3A_155 = arith.addi %mul3A_153, %add3A_154 : i32
      %dma_start3A_156 = arith.constant 384 : i32
      %dma_start3A_157 = arith.constant 0 : i32
      %dma_start3A_158 = tpu.memref_slice %arg8[%dma_start3A_156, %dma_start3A_157] : memref<640x32xf32, #tpu.memory_space<vmem>> -> memref<128x32xf32, #tpu.memory_space<vmem>>
      %dma_start3A_159 = arith.constant 0 : i32
      %dma_start3A_160 = tpu.memref_slice %arg6[%add3A_155, %dma_start3A_159] : memref<200x128xi32, #tpu.memory_space<vmem>> -> memref<1x128xi32, #tpu.memory_space<vmem>>
      %dma_start3A_161 = tpu.memref_squeeze %dma_start3A_160 : memref<1x128xi32, #tpu.memory_space<vmem>> -> memref<128xi32, #tpu.memory_space<vmem>>
      %dma_start3A_162 = arith.constant 0 : i32
      %dma_start3A_163 = arith.constant 0 : i32
      %dma_start3A_164 = tpu.memref_slice %arg5[%dma_start3A_162, %dma_start3A_163] : memref<29056x32xf32, #tpu.memory_space<vmem_shared>> -> memref<29056x32xf32, #tpu.memory_space<vmem_shared>>
      tpu.enqueue_indirect_dma source(%dma_start3A_164 : memref<29056x32xf32, #tpu.memory_space<vmem_shared>>) target(%dma_start3A_158 : memref<128x32xf32, #tpu.memory_space<vmem>>) offsets(%dma_start3A_161 : memref<128xi32, #tpu.memory_space<vmem>>) semaphore(%arg10 : memref<!tpu.dma_semaphore, #tpu.memory_space<semaphore_mem>>)
      %mul3A_165 = arith.constant 5 : i32
      %mul3A_166 = arith.muli %add3A_40, %mul3A_165 : i32
      %add3A_167 = arith.constant 4 : i32
      %add3A_168 = arith.addi %mul3A_166, %add3A_167 : i32
      %dma_start3A_169 = arith.constant 512 : i32
      %dma_start3A_170 = arith.constant 0 : i32
      %dma_start3A_171 = tpu.memref_slice %arg8[%dma_start3A_169, %dma_start3A_170] : memref<640x32xf32, #tpu.memory_space<vmem>> -> memref<128x32xf32, #tpu.memory_space<vmem>>
      %dma_start3A_172 = arith.constant 0 : i32
      %dma_start3A_173 = tpu.memref_slice %arg6[%add3A_168, %dma_start3A_172] : memref<200x128xi32, #tpu.memory_space<vmem>> -> memref<1x128xi32, #tpu.memory_space<vmem>>
      %dma_start3A_174 = tpu.memref_squeeze %dma_start3A_173 : memref<1x128xi32, #tpu.memory_space<vmem>> -> memref<128xi32, #tpu.memory_space<vmem>>
      %dma_start3A_175 = arith.constant 0 : i32
      %dma_start3A_176 = arith.constant 0 : i32
      %dma_start3A_177 = tpu.memref_slice %arg5[%dma_start3A_175, %dma_start3A_176] : memref<29056x32xf32, #tpu.memory_space<vmem_shared>> -> memref<29056x32xf32, #tpu.memory_space<vmem_shared>>
      tpu.enqueue_indirect_dma source(%dma_start3A_177 : memref<29056x32xf32, #tpu.memory_space<vmem_shared>>) target(%dma_start3A_171 : memref<128x32xf32, #tpu.memory_space<vmem>>) offsets(%dma_start3A_174 : memref<128xi32, #tpu.memory_space<vmem>>) semaphore(%arg10 : memref<!tpu.dma_semaphore, #tpu.memory_space<semaphore_mem>>)
      %dma_wait3A_178 = arith.constant 0 : i32
      %dma_wait3A_179 = arith.constant 0 : i32
      %dma_wait3A_180 = tpu.memref_slice %arg7[%dma_wait3A_178, %dma_wait3A_179] : memref<640x32xf32, #tpu.memory_space<vmem>> -> memref<128x32xf32, #tpu.memory_space<vmem>>
      %dma_wait3A_181 = arith.constant 0 : i32
      %dma_wait3A_182 = tpu.memref_slice %arg6[%add3A_46, %dma_wait3A_181] : memref<200x128xi32, #tpu.memory_space<vmem>> -> memref<1x128xi32, #tpu.memory_space<vmem>>
      %dma_wait3A_183 = tpu.memref_squeeze %dma_wait3A_182 : memref<1x128xi32, #tpu.memory_space<vmem>> -> memref<128xi32, #tpu.memory_space<vmem>>
      %dma_wait3A_184 = arith.constant 0 : i32
      %dma_wait3A_185 = arith.constant 0 : i32
      %dma_wait3A_186 = tpu.memref_slice %arg5[%dma_wait3A_184, %dma_wait3A_185] : memref<29056x32xf32, #tpu.memory_space<vmem_shared>> -> memref<29056x32xf32, #tpu.memory_space<vmem_shared>>
      tpu.wait_indirect_dma semaphore(%arg9 : memref<!tpu.dma_semaphore, #tpu.memory_space<semaphore_mem>>) src(%dma_wait3A_186 : memref<29056x32xf32, #tpu.memory_space<vmem_shared>>) dst(%dma_wait3A_180 : memref<128x32xf32, #tpu.memory_space<vmem>>)
      %dma_wait3A_187 = arith.constant 128 : i32
      %dma_wait3A_188 = arith.constant 0 : i32
      %dma_wait3A_189 = tpu.memref_slice %arg7[%dma_wait3A_187, %dma_wait3A_188] : memref<640x32xf32, #tpu.memory_space<vmem>> -> memref<128x32xf32, #tpu.memory_space<vmem>>
      %dma_wait3A_190 = arith.constant 0 : i32
      %dma_wait3A_191 = tpu.memref_slice %arg6[%add3A_59, %dma_wait3A_190] : memref<200x128xi32, #tpu.memory_space<vmem>> -> memref<1x128xi32, #tpu.memory_space<vmem>>
      %dma_wait3A_192 = tpu.memref_squeeze %dma_wait3A_191 : memref<1x128xi32, #tpu.memory_space<vmem>> -> memref<128xi32, #tpu.memory_space<vmem>>
      %dma_wait3A_193 = arith.constant 0 : i32
      %dma_wait3A_194 = arith.constant 0 : i32
      %dma_wait3A_195 = tpu.memref_slice %arg5[%dma_wait3A_193, %dma_wait3A_194] : memref<29056x32xf32, #tpu.memory_space<vmem_shared>> -> memref<29056x32xf32, #tpu.memory_space<vmem_shared>>
      tpu.wait_indirect_dma semaphore(%arg9 : memref<!tpu.dma_semaphore, #tpu.memory_space<semaphore_mem>>) src(%dma_wait3A_195 : memref<29056x32xf32, #tpu.memory_space<vmem_shared>>) dst(%dma_wait3A_189 : memref<128x32xf32, #tpu.memory_space<vmem>>)
      %dma_wait3A_196 = arith.constant 256 : i32
      %dma_wait3A_197 = arith.constant 0 : i32
      %dma_wait3A_198 = tpu.memref_slice %arg7[%dma_wait3A_196, %dma_wait3A_197] : memref<640x32xf32, #tpu.memory_space<vmem>> -> memref<128x32xf32, #tpu.memory_space<vmem>>
      %dma_wait3A_199 = arith.constant 0 : i32
      %dma_wait3A_200 = tpu.memref_slice %arg6[%add3A_72, %dma_wait3A_199] : memref<200x128xi32, #tpu.memory_space<vmem>> -> memref<1x128xi32, #tpu.memory_space<vmem>>
      %dma_wait3A_201 = tpu.memref_squeeze %dma_wait3A_200 : memref<1x128xi32, #tpu.memory_space<vmem>> -> memref<128xi32, #tpu.memory_space<vmem>>
      %dma_wait3A_202 = arith.constant 0 : i32
      %dma_wait3A_203 = arith.constant 0 : i32
      %dma_wait3A_204 = tpu.memref_slice %arg5[%dma_wait3A_202, %dma_wait3A_203] : memref<29056x32xf32, #tpu.memory_space<vmem_shared>> -> memref<29056x32xf32, #tpu.memory_space<vmem_shared>>
      tpu.wait_indirect_dma semaphore(%arg9 : memref<!tpu.dma_semaphore, #tpu.memory_space<semaphore_mem>>) src(%dma_wait3A_204 : memref<29056x32xf32, #tpu.memory_space<vmem_shared>>) dst(%dma_wait3A_198 : memref<128x32xf32, #tpu.memory_space<vmem>>)
      %dma_wait3A_205 = arith.constant 384 : i32
      %dma_wait3A_206 = arith.constant 0 : i32
      %dma_wait3A_207 = tpu.memref_slice %arg7[%dma_wait3A_205, %dma_wait3A_206] : memref<640x32xf32, #tpu.memory_space<vmem>> -> memref<128x32xf32, #tpu.memory_space<vmem>>
      %dma_wait3A_208 = arith.constant 0 : i32
      %dma_wait3A_209 = tpu.memref_slice %arg6[%add3A_85, %dma_wait3A_208] : memref<200x128xi32, #tpu.memory_space<vmem>> -> memref<1x128xi32, #tpu.memory_space<vmem>>
      %dma_wait3A_210 = tpu.memref_squeeze %dma_wait3A_209 : memref<1x128xi32, #tpu.memory_space<vmem>> -> memref<128xi32, #tpu.memory_space<vmem>>
      %dma_wait3A_211 = arith.constant 0 : i32
      %dma_wait3A_212 = arith.constant 0 : i32
      %dma_wait3A_213 = tpu.memref_slice %arg5[%dma_wait3A_211, %dma_wait3A_212] : memref<29056x32xf32, #tpu.memory_space<vmem_shared>> -> memref<29056x32xf32, #tpu.memory_space<vmem_shared>>
      tpu.wait_indirect_dma semaphore(%arg9 : memref<!tpu.dma_semaphore, #tpu.memory_space<semaphore_mem>>) src(%dma_wait3A_213 : memref<29056x32xf32, #tpu.memory_space<vmem_shared>>) dst(%dma_wait3A_207 : memref<128x32xf32, #tpu.memory_space<vmem>>)
      %dma_wait3A_214 = arith.constant 512 : i32
      %dma_wait3A_215 = arith.constant 0 : i32
      %dma_wait3A_216 = tpu.memref_slice %arg7[%dma_wait3A_214, %dma_wait3A_215] : memref<640x32xf32, #tpu.memory_space<vmem>> -> memref<128x32xf32, #tpu.memory_space<vmem>>
      %dma_wait3A_217 = arith.constant 0 : i32
      %dma_wait3A_218 = tpu.memref_slice %arg6[%add3A_98, %dma_wait3A_217] : memref<200x128xi32, #tpu.memory_space<vmem>> -> memref<1x128xi32, #tpu.memory_space<vmem>>
      %dma_wait3A_219 = tpu.memref_squeeze %dma_wait3A_218 : memref<1x128xi32, #tpu.memory_space<vmem>> -> memref<128xi32, #tpu.memory_space<vmem>>
      %dma_wait3A_220 = arith.constant 0 : i32
      %dma_wait3A_221 = arith.constant 0 : i32
      %dma_wait3A_222 = tpu.memref_slice %arg5[%dma_wait3A_220, %dma_wait3A_221] : memref<29056x32xf32, #tpu.memory_space<vmem_shared>> -> memref<29056x32xf32, #tpu.memory_space<vmem_shared>>
      tpu.wait_indirect_dma semaphore(%arg9 : memref<!tpu.dma_semaphore, #tpu.memory_space<semaphore_mem>>) src(%dma_wait3A_222 : memref<29056x32xf32, #tpu.memory_space<vmem_shared>>) dst(%dma_wait3A_216 : memref<128x32xf32, #tpu.memory_space<vmem>>)
      %mul3A_223 = arith.constant 640 : i32
      %mul3A_224 = arith.muli %mul3A_36, %mul3A_223 : i32
      %add3A_225 = arith.addi %mul3A_4, %mul3A_224 : i32
      %dma_start3A_226 = arith.constant 0 : i32
      %dma_start3A_227 = tpu.memref_slice %arg4[%add3A_225, %dma_start3A_226] : memref<819200x32xf32, #tpu.memory_space<hbm>> -> memref<640x32xf32, #tpu.memory_space<hbm>>
      %dma_start3A_228 = arith.constant 0 : i32
      %dma_start3A_229 = tpu.memref_slice %arg4[%add3A_225, %dma_start3A_228] : memref<819200x32xf32, #tpu.memory_space<hbm>> -> memref<640x32xf32, #tpu.memory_space<hbm>>
      tpu.enqueue_dma source(%arg7 : memref<640x32xf32, #tpu.memory_space<vmem>>) target(%dma_start3A_229 : memref<640x32xf32, #tpu.memory_space<hbm>>) target_semaphore(%arg11 : memref<!tpu.dma_semaphore, #tpu.memory_space<semaphore_mem>>)
      %dma_wait3A_230 = arith.constant 0 : i32
      %dma_wait3A_231 = arith.constant 0 : i32
      %dma_wait3A_232 = tpu.memref_slice %arg8[%dma_wait3A_230, %dma_wait3A_231] : memref<640x32xf32, #tpu.memory_space<vmem>> -> memref<128x32xf32, #tpu.memory_space<vmem>>
      %dma_wait3A_233 = arith.constant 0 : i32
      %dma_wait3A_234 = tpu.memref_slice %arg6[%add3A_116, %dma_wait3A_233] : memref<200x128xi32, #tpu.memory_space<vmem>> -> memref<1x128xi32, #tpu.memory_space<vmem>>
      %dma_wait3A_235 = tpu.memref_squeeze %dma_wait3A_234 : memref<1x128xi32, #tpu.memory_space<vmem>> -> memref<128xi32, #tpu.memory_space<vmem>>
      %dma_wait3A_236 = arith.constant 0 : i32
      %dma_wait3A_237 = arith.constant 0 : i32
      %dma_wait3A_238 = tpu.memref_slice %arg5[%dma_wait3A_236, %dma_wait3A_237] : memref<29056x32xf32, #tpu.memory_space<vmem_shared>> -> memref<29056x32xf32, #tpu.memory_space<vmem_shared>>
      tpu.wait_indirect_dma semaphore(%arg10 : memref<!tpu.dma_semaphore, #tpu.memory_space<semaphore_mem>>) src(%dma_wait3A_238 : memref<29056x32xf32, #tpu.memory_space<vmem_shared>>) dst(%dma_wait3A_232 : memref<128x32xf32, #tpu.memory_space<vmem>>)
      %dma_wait3A_239 = arith.constant 128 : i32
      %dma_wait3A_240 = arith.constant 0 : i32
      %dma_wait3A_241 = tpu.memref_slice %arg8[%dma_wait3A_239, %dma_wait3A_240] : memref<640x32xf32, #tpu.memory_space<vmem>> -> memref<128x32xf32, #tpu.memory_space<vmem>>
      %dma_wait3A_242 = arith.constant 0 : i32
      %dma_wait3A_243 = tpu.memref_slice %arg6[%add3A_129, %dma_wait3A_242] : memref<200x128xi32, #tpu.memory_space<vmem>> -> memref<1x128xi32, #tpu.memory_space<vmem>>
      %dma_wait3A_244 = tpu.memref_squeeze %dma_wait3A_243 : memref<1x128xi32, #tpu.memory_space<vmem>> -> memref<128xi32, #tpu.memory_space<vmem>>
      %dma_wait3A_245 = arith.constant 0 : i32
      %dma_wait3A_246 = arith.constant 0 : i32
      %dma_wait3A_247 = tpu.memref_slice %arg5[%dma_wait3A_245, %dma_wait3A_246] : memref<29056x32xf32, #tpu.memory_space<vmem_shared>> -> memref<29056x32xf32, #tpu.memory_space<vmem_shared>>
      tpu.wait_indirect_dma semaphore(%arg10 : memref<!tpu.dma_semaphore, #tpu.memory_space<semaphore_mem>>) src(%dma_wait3A_247 : memref<29056x32xf32, #tpu.memory_space<vmem_shared>>) dst(%dma_wait3A_241 : memref<128x32xf32, #tpu.memory_space<vmem>>)
      %dma_wait3A_248 = arith.constant 256 : i32
      %dma_wait3A_249 = arith.constant 0 : i32
      %dma_wait3A_250 = tpu.memref_slice %arg8[%dma_wait3A_248, %dma_wait3A_249] : memref<640x32xf32, #tpu.memory_space<vmem>> -> memref<128x32xf32, #tpu.memory_space<vmem>>
      %dma_wait3A_251 = arith.constant 0 : i32
      %dma_wait3A_252 = tpu.memref_slice %arg6[%add3A_142, %dma_wait3A_251] : memref<200x128xi32, #tpu.memory_space<vmem>> -> memref<1x128xi32, #tpu.memory_space<vmem>>
      %dma_wait3A_253 = tpu.memref_squeeze %dma_wait3A_252 : memref<1x128xi32, #tpu.memory_space<vmem>> -> memref<128xi32, #tpu.memory_space<vmem>>
      %dma_wait3A_254 = arith.constant 0 : i32
      %dma_wait3A_255 = arith.constant 0 : i32
      %dma_wait3A_256 = tpu.memref_slice %arg5[%dma_wait3A_254, %dma_wait3A_255] : memref<29056x32xf32, #tpu.memory_space<vmem_shared>> -> memref<29056x32xf32, #tpu.memory_space<vmem_shared>>
      tpu.wait_indirect_dma semaphore(%arg10 : memref<!tpu.dma_semaphore, #tpu.memory_space<semaphore_mem>>) src(%dma_wait3A_256 : memref<29056x32xf32, #tpu.memory_space<vmem_shared>>) dst(%dma_wait3A_250 : memref<128x32xf32, #tpu.memory_space<vmem>>)
      %dma_wait3A_257 = arith.constant 384 : i32
      %dma_wait3A_258 = arith.constant 0 : i32
      %dma_wait3A_259 = tpu.memref_slice %arg8[%dma_wait3A_257, %dma_wait3A_258] : memref<640x32xf32, #tpu.memory_space<vmem>> -> memref<128x32xf32, #tpu.memory_space<vmem>>
      %dma_wait3A_260 = arith.constant 0 : i32
      %dma_wait3A_261 = tpu.memref_slice %arg6[%add3A_155, %dma_wait3A_260] : memref<200x128xi32, #tpu.memory_space<vmem>> -> memref<1x128xi32, #tpu.memory_space<vmem>>
      %dma_wait3A_262 = tpu.memref_squeeze %dma_wait3A_261 : memref<1x128xi32, #tpu.memory_space<vmem>> -> memref<128xi32, #tpu.memory_space<vmem>>
      %dma_wait3A_263 = arith.constant 0 : i32
      %dma_wait3A_264 = arith.constant 0 : i32
      %dma_wait3A_265 = tpu.memref_slice %arg5[%dma_wait3A_263, %dma_wait3A_264] : memref<29056x32xf32, #tpu.memory_space<vmem_shared>> -> memref<29056x32xf32, #tpu.memory_space<vmem_shared>>
      tpu.wait_indirect_dma semaphore(%arg10 : memref<!tpu.dma_semaphore, #tpu.memory_space<semaphore_mem>>) src(%dma_wait3A_265 : memref<29056x32xf32, #tpu.memory_space<vmem_shared>>) dst(%dma_wait3A_259 : memref<128x32xf32, #tpu.memory_space<vmem>>)
      %dma_wait3A_266 = arith.constant 512 : i32
      %dma_wait3A_267 = arith.constant 0 : i32
      %dma_wait3A_268 = tpu.memref_slice %arg8[%dma_wait3A_266, %dma_wait3A_267] : memref<640x32xf32, #tpu.memory_space<vmem>> -> memref<128x32xf32, #tpu.memory_space<vmem>>
      %dma_wait3A_269 = arith.constant 0 : i32
      %dma_wait3A_270 = tpu.memref_slice %arg6[%add3A_168, %dma_wait3A_269] : memref<200x128xi32, #tpu.memory_space<vmem>> -> memref<1x128xi32, #tpu.memory_space<vmem>>
      %dma_wait3A_271 = tpu.memref_squeeze %dma_wait3A_270 : memref<1x128xi32, #tpu.memory_space<vmem>> -> memref<128xi32, #tpu.memory_space<vmem>>
      %dma_wait3A_272 = arith.constant 0 : i32
      %dma_wait3A_273 = arith.constant 0 : i32
      %dma_wait3A_274 = tpu.memref_slice %arg5[%dma_wait3A_272, %dma_wait3A_273] : memref<29056x32xf32, #tpu.memory_space<vmem_shared>> -> memref<29056x32xf32, #tpu.memory_space<vmem_shared>>
      tpu.wait_indirect_dma semaphore(%arg10 : memref<!tpu.dma_semaphore, #tpu.memory_space<semaphore_mem>>) src(%dma_wait3A_274 : memref<29056x32xf32, #tpu.memory_space<vmem_shared>>) dst(%dma_wait3A_268 : memref<128x32xf32, #tpu.memory_space<vmem>>)
      %mul3A_275 = arith.constant 640 : i32
      %mul3A_276 = arith.muli %add3A_40, %mul3A_275 : i32
      %add3A_277 = arith.addi %mul3A_4, %mul3A_276 : i32
      %dma_start3A_278 = arith.constant 0 : i32
      %dma_start3A_279 = tpu.memref_slice %arg4[%add3A_277, %dma_start3A_278] : memref<819200x32xf32, #tpu.memory_space<hbm>> -> memref<640x32xf32, #tpu.memory_space<hbm>>
      %dma_start3A_280 = arith.constant 0 : i32
      %dma_start3A_281 = tpu.memref_slice %arg4[%add3A_277, %dma_start3A_280] : memref<819200x32xf32, #tpu.memory_space<hbm>> -> memref<640x32xf32, #tpu.memory_space<hbm>>
      tpu.enqueue_dma source(%arg8 : memref<640x32xf32, #tpu.memory_space<vmem>>) target(%dma_start3A_281 : memref<640x32xf32, #tpu.memory_space<hbm>>) target_semaphore(%arg12 : memref<!tpu.dma_semaphore, #tpu.memory_space<semaphore_mem>>)
      %scan3A_282 = arith.constant 0 : i32
      scf.yield %scan3A_282 : i32
    }
    %scan3A_20 = arith.constant 20 : i32
    %dma_wait3A_21 = arith.constant 0 : i32
    %dma_wait3A_22 = arith.constant 0 : i32
    %dma_wait3A_23 = tpu.memref_slice %arg4[%dma_wait3A_21, %dma_wait3A_22] : memref<819200x32xf32, #tpu.memory_space<hbm>> -> memref<640x32xf32, #tpu.memory_space<hbm>>
    %dma_wait3A_24 = arith.constant 0 : i32
    %dma_wait3A_25 = arith.constant 0 : i32
    %dma_wait3A_26 = tpu.memref_slice %arg4[%dma_wait3A_24, %dma_wait3A_25] : memref<819200x32xf32, #tpu.memory_space<hbm>> -> memref<640x32xf32, #tpu.memory_space<hbm>>
    tpu.wait_dma2 semaphore(%arg11 : memref<!tpu.dma_semaphore, #tpu.memory_space<semaphore_mem>>) src(%arg7 : memref<640x32xf32, #tpu.memory_space<vmem>>) dst(%dma_wait3A_26 : memref<640x32xf32, #tpu.memory_space<hbm>>)
    %dma_wait3A_27 = arith.constant 0 : i32
    %dma_wait3A_28 = arith.constant 0 : i32
    %dma_wait3A_29 = tpu.memref_slice %arg4[%dma_wait3A_27, %dma_wait3A_28] : memref<819200x32xf32, #tpu.memory_space<hbm>> -> memref<640x32xf32, #tpu.memory_space<hbm>>
    %dma_wait3A_30 = arith.constant 0 : i32
    %dma_wait3A_31 = arith.constant 0 : i32
    %dma_wait3A_32 = tpu.memref_slice %arg4[%dma_wait3A_30, %dma_wait3A_31] : memref<819200x32xf32, #tpu.memory_space<hbm>> -> memref<640x32xf32, #tpu.memory_space<hbm>>
    tpu.wait_dma2 semaphore(%arg12 : memref<!tpu.dma_semaphore, #tpu.memory_space<semaphore_mem>>) src(%arg8 : memref<640x32xf32, #tpu.memory_space<vmem>>) dst(%dma_wait3A_32 : memref<640x32xf32, #tpu.memory_space<hbm>>)
    return
  }
}

</mosaic_0001>

<sc_bundles>
// kernel: kernel.3.cloned.1.call-start
scs
__scs_entry_jumppad:
0x0: {  	(pc) =	sbr.rel $0x88, $3  }
0x1: {  	(tag) =	ssettag $0x0;
	lr =	simm.s32 $0x1  }
0x2: {  	[smem:$0x3F9F] =	sst lr;
	_ =	strace $0xD0000000  }
0x3: {  	_ = 	snop  }
0x4: {  	_ = 	snop  }
0x5: {  	_ = 	snop  }
0x6: {  	_ = 	snop  }
0x7: {  	_ = 	snop  }
__scs_overlays_trampoline_lowered:
0x8: {  	[smem:$0x3FAE] =	sst s0  }
0x9: {  	[smem:$0x3FAF] =	sst s1  }
0xa: {  	[smem:$0x3FB0] =	sst s2  }
0xb: {  	[smem:$0x3FB1] =	sst s3  }
0xc: {  	[smem:$0x3FB2] =	sst s4  }
0xd: {  	[smem:$0x3FB3] =	sst s5  }
0xe: {  	[smem:$0x3FB4] =	sst s6  }
0xf: {  	[smem:$0x3FB5] =	sst s7  }
0x10: {  	[smem:$0x3FB6] =	sst s8  }
0x11: {  	[smem:$0x3FB7] =	sst s9;
	s0 =	simm.s32 @!p0 $0x0  }
0x12: {  	s1 =	sld [smem:$0x3F9D];
	s0 =	simm.s32 @p0 $0x1  }
0x13: {  	[smem:$0x3FB8] =	sst s0;
	s0 =	simm.s32 @!p1 $0x0  }
0x14: {  	s2 =	sld [smem:$0x3F9C];
	s0 =	simm.s32 @p1 $0x1  }
0x15: {  	[smem:$0x3FB9] =	sst s0;
	s0 =	simm.s32 @!p2 $0x0  }
0x16: {  	s3 =	sld [smem:$0x3FDB];
	s0 =	simm.s32 @p2 $0x1  }
0x17: {  	s4 =	simm.s32 $0x1BF5;
	[smem:$0x3FBB] =	sst s0  }
0x18: {  	s0 =	sld [smem:$0x3F9E];
	_ =	swait.ge [sflag:s4], $0x0  }
0x19: {  	s7 =	sld [smem:$0x3F9F]  }
0x1a: {  	s8 =	sadd.s32 $0xFFFFE003, lr  }
0x1b: {  	s9 =	sadd.s32 $0xFFFFFEF7, lr;
	s5 =	simm.s32 $0xFFFFFFFF;
	p2 =	slt.u32 s8, $0xFFFFF086  }
0x1c: {  	p1 =	slt.u32 s9, $0xF7A;
	s5 =	simm.s32 @!p2 $0x0  }
0x1d: {  	s5 =	simm.s32 @p1 $0x1;
	p0 =	seq.s32 s7, s2  }
0x1e: {  	s7 =	smul.u32 @!p0 $0xF7A, s2;
	p2 =	seq.s32 @!p0 s5, $0x0  }
0x1f: {  	s9 =	smul.u32 $0xF7A, s1;
	s8 =	simm.s32 @!p0 $0x1BF5;
	p2 =	por !p2, p0  }
0x20: {  	[sflag:s8] =	ssyncset.s32 @!p0 $0xFFFFF086;
	s6 =	sadd.s32 @!p0 s3, s7;
	s7 =	simm.s32 @!p0 $0x108  }
0x21: {  	s3 =	sadd.s32 s3, s9;
	s6 =	sadd.s32 @!p0 $0x88, s6;
	s7 =	simm.s32 @p2 $0x1082  }
0x22: {  	[simem:s7], [sflag:s8] =	dma.local @!p0 [hbm:s6], $0xF7A  }
0x23: {  	s9 =	sor.u32 $0xD0000000, s2;
	s6 =	simm.s32 $0x108;
	_ =	swait.ge @!p0 [sflag:s8], $0x0  }
0x24: {  	s3 =	sadd.s32 $0x88, s3;
	s6 =	simm.s32 @!p1 $0x1082;
	[sflag:s4] =	ssyncset.s32 $0xFFFFF086  }
0x25: {  	[simem:s6], [sflag:s4] =	dma.local [hbm:s3], $0xF7A  }
0x26: {  	[smem:$0x3F9F] =	sst s1;
	(tag) =	ssettag s2;
	_ =	strace s9  }
0x27: {  	s1 =	sld [smem:$0x3FAF]  }
0x28: {  	s2 =	sld [smem:$0x3FB0]  }
0x29: {  	s4 =	sld [smem:$0x3FB2]  }
0x2a: {  	p0 =	seq.s32 s5, $0x0;
	s5 =	sld [smem:$0x3FB3]  }
0x2b: {  	s6 =	sld [smem:$0x3FB4]  }
0x2c: {  	s7 =	sld [smem:$0x3FB5]  }
0x2d: {  	s3 =	simm.s32 $0x108;
	s8 =	sld [smem:$0x3FB6]  }
0x2e: {  	s3 =	simm.s32 @!p0 $0x1082;
	s9 =	sld [smem:$0x3FB7]  }
0x2f: {  	lr =	sadd.s32 s0, s3;
	s0 =	sld [smem:$0x3FAE]  }
0x30: {  	s3 =	sld [smem:$0x3FB1]  }
0x31: {  	[smem:$0x3FBA] =	sst s10  }
0x32: {  	s10 =	sld [smem:$0x3FB8];
	_ =	sdelay $0x3  }
0x33: {  	p0 =	seq.s32 s10, $0x1;
	s10 =	sld [smem:$0x3FBA];
	_ =	sdelay $0x3  }
0x34: {  	[smem:$0x3FBA] =	sst s10  }
0x35: {  	s10 =	sld [smem:$0x3FB9];
	_ =	sdelay $0x3  }
0x36: {  	p1 =	seq.s32 s10, $0x1;
	s10 =	sld [smem:$0x3FBA];
	_ =	sdelay $0x3  }
0x37: {  	[smem:$0x3FBA] =	sst s10  }
0x38: {  	s10 =	sld [smem:$0x3FBB]  }
0x39: {  	_ = 	snop;
	(pc) =	sbr.ind lr, $3  }
0x3a: {  	_ = 	snop  }
0x3b: {  	_ = 	snop  }
0x3c: {  	p2 =	seq.s32 s10, $0x1;
	s10 =	sld [smem:$0x3FBA]  }
0x3d: {  	_ =	shalt  }
0x3e: {  	_ =	shalt  }
0x3f: {  	_ =	shalt  }
0x40: {  	_ =	shalt  }
0x41: {  	_ =	shalt  }
0x42: {  	_ =	shalt  }
0x43: {  	_ =	shalt  }
0x44: {  	_ =	shalt  }
0x45: {  	_ =	shalt  }
0x46: {  	_ =	shalt  }
0x47: {  	_ =	shalt  }
0x48: {  	_ =	shalt  }
0x49: {  	_ =	shalt  }
0x4a: {  	_ =	shalt  }
0x4b: {  	_ =	shalt  }
0x4c: {  	_ =	shalt  }
0x4d: {  	_ =	shalt  }
0x4e: {  	_ =	shalt  }
0x4f: {  	_ =	shalt  }
0x50: {  	_ =	shalt  }
0x51: {  	_ =	shalt  }
0x52: {  	_ =	shalt  }
0x53: {  	_ =	shalt  }
0x54: {  	_ =	shalt  }
0x55: {  	_ =	shalt  }
0x56: {  	_ =	shalt  }
0x57: {  	_ =	shalt  }
0x58: {  	_ =	shalt  }
0x59: {  	_ =	shalt  }
0x5a: {  	_ =	shalt  }
0x5b: {  	_ =	shalt  }
0x5c: {  	_ =	shalt  }
0x5d: {  	_ =	shalt  }
0x5e: {  	_ =	shalt  }
0x5f: {  	_ =	shalt  }
0x60: {  	_ =	shalt  }
0x61: {  	_ =	shalt  }
0x62: {  	_ =	shalt  }
0x63: {  	_ =	shalt  }
0x64: {  	_ =	shalt  }
0x65: {  	_ =	shalt  }
0x66: {  	_ =	shalt  }
0x67: {  	_ =	shalt  }
0x68: {  	_ =	shalt  }
0x69: {  	_ =	shalt  }
0x6a: {  	_ =	shalt  }
0x6b: {  	_ =	shalt  }
0x6c: {  	_ =	shalt  }
0x6d: {  	_ =	shalt  }
0x6e: {  	_ =	shalt  }
0x6f: {  	_ =	shalt  }
0x70: {  	_ =	shalt  }
0x71: {  	_ =	shalt  }
0x72: {  	_ =	shalt  }
0x73: {  	_ =	shalt  }
0x74: {  	_ =	shalt  }
0x75: {  	_ =	shalt  }
0x76: {  	_ =	shalt  }
0x77: {  	_ =	shalt  }
0x78: {  	_ =	shalt  }
0x79: {  	_ =	shalt  }
0x7a: {  	_ =	shalt  }
0x7b: {  	_ =	shalt  }
0x7c: {  	_ =	shalt  }
0x7d: {  	_ =	shalt  }
0x7e: {  	_ =	shalt  }
0x7f: {  	_ =	shalt  }
0x80: {  	_ =	shalt  }
0x81: {  	_ =	shalt  }
0x82: {  	_ =	shalt  }
0x83: {  	_ =	shalt  }
0x84: {  	_ =	shalt  }
0x85: {  	_ =	shalt  }
0x86: {  	_ =	shalt  }
0x87: {  	_ =	shalt  }
.Lfunc_end0:
.L_simem_size_0:
called_computation.1_lowered:
.L_overlay_start_0:
0x88: {  	s2 =	sld [smem:$0x3FD9]  }
0x89: {  	s3 =	sld [smem:$0x3FFE];
	_ =	sdelay $0x1  }
0x8a: {  	s1 =	srdreg.scid  }
0x8b: {  	s0 =	sand.u32 $0x1, s1  }
0x8c: {  	s17 =	sshll.u32 s0, $0xA;
	s2 =	sadd.s32 s3, s2  }
0x8d: {  	s2 =	sadd.s32 s2, s17  }
0x8e: {  	[smem:$0x3FC6] =	sst s2  }
0x8f: {  	_ = 	snop  }
0x90: {  	s2 =	sld [smem:$0x3FD0];
	(tm) =	ssettm $0x1  }
0x91: {  	s18 =	sld [smem:$0x3FFB];
	_ =	sdelay $0x3  }
0x92: {  	_ =	strace s18  }
0x93: {  	s3 =	sld [smem:$0x3FFC];
	_ =	sdelay $0x3  }
0x94: {  	_ =	strace s3  }
0x95: {  	s3 =	sld [smem:$0x3FFD];
	_ =	sdelay $0x3  }
0x96: {  	_ =	strace s3  }
0x97: {  	_ =	strace $0x8FFFFFFF  }
0x98: {  	s19 =	sld [smem:$0x3FDB];
	_ =	sdelay $0x1  }
0x99: {  	s4 =	simm.s32 $_scs_section_size  }
0x9a: {  	s5 =	simm.s32 $_size__tile_overlayer_lowered;
	s6 =	simm.s32 $_tile_overlayer_lowered  }
0x9b: {  	s22 =	simm.s32 $0x1BFF;
	s21 =	sshll.u32 s6, $0x1;
	s3 =	sadd.s32 s4, s19  }
0x9c: {  	s7 =	simm.s32 $0x0;
	s20 =	sshll.u32 s5, $0x1;
	s5 =	sadd.s32 s21, s3  }
0x9d: {  	[timem:s7], [sflag:s22] =	dma.local [hbm:s5], s20  }
0x9e: {  	_ =	swait.ge [sflag:s22], s20  }
0x9f: {  	s4 =	ssub.s32 $0x0, s20;
	[sflag:s22] =	ssyncset.done $0x0  }
0xa0: {  	[sflag:s22] =	ssyncadd.s32 s4;
	_ =	sdelay $0x1  }
0xa1: {  	s23 =	simm.s32 $0x1B8B  }
0xa2: {  	_ =	swait.ge [sflag:s23], $0x1  }
0xa3: {  	[sflag:s23] =	ssyncset.done $0x0  }
0xa4: {  	s25 =	simm.s32 $0x1B8E;
	s24 =	sld [smem:$0x3FFE];
	[sflag:s23] =	ssyncadd.s32 $0xFFFFFFFF  }
0xa5: {  	s26 =	simm.s32 $execute0_lowered;
	[smem:$0x3FD2] =	sst s25  }
0xa6: {  	s5 =	sshll.u32 s26, $0x1;
	_ =	strace $0x80000046;
	[dreg:$0x1] =	wrdreg $0xFFFFFFFF  }
0xa7: {  	s28 =	simm.s32 $_size_execute0_lowered;
	s3 =	sadd.s32 s3, s5;
	[dreg:$0x0] =	wrdreg $0x0  }
0xa8: {  	s5 =	sshll.u32 s28, $0x1;
	[dreg:$0x2] =	wrdreg s3  }
0xa9: {  	[dreg:$0x3] =	wrdreg s5  }
0xaa: {  	[dreg:$0x4] =	wrdreg $0xC0  }
0xab: {  	_ =	task [dreg:s7], $0x5FFFF  }
0xac: {  	[dreg:$0x1] =	wrdreg $0xFFFFFFFF  }
0xad: {  	[dreg:$0x0] =	wrdreg $0x60  }
0xae: {  	[dreg:$0x2] =	wrdreg s24  }
0xaf: {  	[dreg:$0x3] =	wrdreg s2  }
0xb0: {  	[dreg:$0x4] =	wrdreg $0x0  }
0xb1: {  	[dreg:$0x5] =	wrdreg $0x9  }
0xb2: {  	_ =	task.clear_ibuf [dreg:s7], $0x6FFFF;
	_ =	strace $0x90000046  }
0xb3: {  	s29 =	simm.s32 $0x9;
	_ =	strace $0x80000048  }
0xb4: {  	_ =	swait.ge [sflag:s29], $0x1  }
0xb5: {  	[sflag:s29] =	ssyncadd.s32 $0xFFFFFFFF  }
0xb6: {  	_ =	strace $0x90000048  }
0xb7: {  	_ =	sfence  }
0xb8: {  	s30 =	sld [smem:$0x0];
	_ =	sdelay $0x2  }
0xb9: {  	s31 =	sshll.u32 s1, $0xD;
	s1 =	sshrl.u32 s1, $0x2  }
0xba: {  	s3 =	sand.u32 $0x4000, s31;
	s1 =	sadd.s32 s1, s30  }
0xbb: {  	s0 =	sor.u32 s3, s0;
	s1 =	sshll.u32 s1, $0x11  }
0xbc: {  	s0 =	sor.u32 s1, s0  }
0xbd: {  	s0 =	sadd.s32 $0x8F2B, s0  }
0xbe: {  	[sflag:s0] =	ssyncadd.remote.s32 $0x1  }
0xbf: {  	_ =	sfence.sel $0xFFFF  }
0xc0: {  	[dreg:$0x0] =	wrdreg $0xFFFFFFFF;
	(pc) =	sbr.abs _section_cstart, $3  }
0xc1: {  	[dreg:$0x1] =	wrdreg $0xFFFFFFFF  }
0xc2: {  	_ =	task.clear_ibuf [dreg:s7], $0x2FFFF;
	_ =	strace $0x9FFFFFFF  }
0xc3: {  	(tm) =	ssettm $0x7FFFFFFF  }
tec
execute0_lowered:
.L_overlay_start_1:
0x0: {  	(tag) =	ssettag $0x1  }
0x1: {  	s0 =	rddreg [dreg:$0x0]  }
0x2: {  	s1 =	srdreg.scid;
	s10 =	rddreg [dreg:$0x1]  }
0x3: {  	s14 =	stileid.u32;
	s2 =	rddreg [dreg:$0x2];
	s15 =	simm.s32 $0x80  }
0x4: {  	s16 =	simm.s32 $0x14700;
	s18 =	simm.s32 $0x15700;
	s29 =	simm.s32 $0x1A700  }
0x5: {  	s31 =	simm.s32 $0x1B700;
	s19 =	simm.s32 $0x1D700;
	s6 =	smul.u32 $0xE300, s14  }
0x6: {  	s28 =	simm.s32 $0x0;
	s1 =	sand.u32 $0x1, s1;
	s11 =	smul.u32 $0x32000, s14  }
0x7: {  	s3 =	sshll.u32 s14, $0x1;
	s13 =	smul.u32 $0xC800, s14;
	s22 =	sshll.u32 s14, $0x6  }
0x8: {  	s14 =	simm.s32 $0x1;
	s4 =	sor.u32 s1, s3;
	s23 =	smul.u32 $0x6400, s1  }
0x9: {  	s3 =	simm.s32 $0x0;
	s8 =	ssub.s32 $0x2, s1;
	s24 =	smul.u32 $0x19000, s1  }
0xa: {  	s5 =	smul.u32 $0xC80, s4;
	[smem:$0x7FF] =	sst s3;
	s20 =	sshrl.u32 s6, $0x3  }
0xb: {  	s9 =	smul.u32 $0x19000, s4;
	s21 =	sshrl.u32 s8, $0x1;
	s12 =	sadd.s32 s6, s2  }
0xc: {  	s25 =	sadd.s32 s11, s10;
	_ =	strace $0x80000047;
	s8 =	ssub.s32 s8, s21  }
0xd: {  	s26 =	sadd.s32 s23, s13;
	s11 =	sshrl.u32 s12, $0x3;
	s12 =	simm.s32 $0xE300  }
0xe: {  	s13 =	simm.s32 $0x5;
	s21 =	simm.s32 $0x2;
	s23 =	simm.s32 $0x3  }
0xf: {  	s7 =	sadd.s32 s5, s0;
	s0 =	sadd.s32 s20, s0;
	s5 =	sor.u32 $0x1C01, s22  }
0x10: {  	s30 =	sshll.u32 s26, $0x2;
	s20 =	simm.s32 $0x16700;
	s22 =	simm.s32 $0x17700  }
0x11: {  	s26 =	simm.s32 $0x19700;
	s0 =	sadd.s32 $0x19A00, s0;
	s6 =	sadd.s32 $0xA00, s7  }
0x12: {  	s7 =	smax.u32 s8, $0x1;
	s8 =	sadd.s32 s10, s9;
	s1 =	sadd.s32 s10, s30  }
0x13: {  	[dreg:$0x5] =	wrdreg s0;
	s0 =	sadd.s32 s24, s25;
	s9 =	sadd.s32 $0xA00, s8  }
0x14: {  	s10 =	sadd.s32 $0x1E00, s1;
	s24 =	simm.s32 $0x18700;
	s0 =	sadd.s32 $0x1400, s0  }
0x15: {  	s25 =	simm.s32 $0x4;
	[dreg:$0x4] =	wrdreg s0;
	s0 =	simm.s32 $0x1C700  }
.LBB2_1:
0x16: {  	s1 =	rddreg [dreg:$0x5]  }
0x17: {  	[spmem:s11], [sflag:s5] =	dma.local [hbm:s1], $0x1C60  }
0x18: {  	[tilespmem:s12], [sflag:$0x5] =	stream.linear.gather [hbm4b:s6+s3], $0x6400, $0x38;
	[tilespmem:$0x1E700] =	vst v63  }
0x19: {  	_ =	swait.ge [sflag:s13], $0x6400  }
0x1a: {  	[sflag:s13] =	ssyncset.done $0x0  }
0x1b: {  	[sflag:s13] =	ssyncadd.s32 $0xFFFF9C00  }
0x1c: {  	_ =	swait.ge [sflag:s14], $0x1C60  }
0x1d: {  	[sflag:s14] =	ssyncset.done $0x0  }
0x1e: {  	[sflag:s14] =	ssyncadd.s32 $0xFFFFE3A0  }
0x1f: {  	[bflag:$0x0] =	sbarrier.arrive $0xFFFF  }
0x20: {  	[tilespmem:s16], [sflag:$0x1] =	stream.indirect.gather [spmem:s2], $0x20, s12, s15, $0xb8;
	[tilespmem:$0x1E700] =	vst v63  }
0x21: {  	s4 =	simm.s32 $0xE380  }
0x22: {  	[tilespmem:s18], [sflag:$0x1] =	stream.indirect.gather [spmem:s2], $0x20, s4, s15, $0xb8;
	[tilespmem:$0x1E700] =	vst v63  }
0x23: {  	s17 =	simm.s32 $0xE400  }
0x24: {  	[tilespmem:s20], [sflag:$0x1] =	stream.indirect.gather [spmem:s2], $0x20, s17, s15, $0xb8;
	[tilespmem:$0x1E700] =	vst v63  }
0x25: {  	s4 =	simm.s32 $0xE480  }
0x26: {  	[tilespmem:s22], [sflag:$0x1] =	stream.indirect.gather [spmem:s2], $0x20, s4, s15, $0xb8;
	[tilespmem:$0x1E700] =	vst v63  }
0x27: {  	s17 =	simm.s32 $0xE500  }
0x28: {  	[tilespmem:s24], [sflag:$0x1] =	stream.indirect.gather [spmem:s2], $0x20, s17, s15, $0xb8;
	[tilespmem:$0x1E700] =	vst v63  }
0x29: {  	s4 =	simm.s32 $0xE580  }
0x2a: {  	[tilespmem:s26], [sflag:$0x2] =	stream.indirect.gather [spmem:s2], $0x20, s4, s15, $0xb8;
	[tilespmem:$0x1E700] =	vst v63  }
0x2b: {  	s17 =	simm.s32 $0xE600  }
0x2c: {  	[tilespmem:s29], [sflag:$0x2] =	stream.indirect.gather [spmem:s2], $0x20, s17, s15, $0xb8;
	[tilespmem:$0x1E700] =	vst v63  }
0x2d: {  	s4 =	simm.s32 $0xE680  }
0x2e: {  	[tilespmem:s31], [sflag:$0x2] =	stream.indirect.gather [spmem:s2], $0x20, s4, s15, $0xb8;
	[tilespmem:$0x1E700] =	vst v63  }
0x2f: {  	s17 =	simm.s32 $0xE700  }
0x30: {  	[tilespmem:s0], [sflag:$0x2] =	stream.indirect.gather [spmem:s2], $0x20, s17, s15, $0xb8;
	[tilespmem:$0x1E700] =	vst v63  }
0x31: {  	s4 =	simm.s32 $0xE780  }
0x32: {  	[tilespmem:s19], [sflag:$0x2] =	stream.indirect.gather [spmem:s2], $0x20, s4, s15, $0xb8;
	[tilespmem:$0x1E700] =	vst v63  }
0x33: {  	_ =	swait.ge [sflag:s14], $0x1000  }
0x34: {  	[sflag:s14] =	ssyncset.done $0x0  }
0x35: {  	[sflag:s14] =	ssyncadd.s32 $0xFFFFF000  }
0x36: {  	_ =	swait.ge [sflag:s14], $0x1000  }
0x37: {  	[sflag:s14] =	ssyncset.done $0x0  }
0x38: {  	[sflag:s14] =	ssyncadd.s32 $0xFFFFF000  }
0x39: {  	_ =	swait.ge [sflag:s14], $0x1000  }
0x3a: {  	[sflag:s14] =	ssyncset.done $0x0  }
0x3b: {  	[sflag:s14] =	ssyncadd.s32 $0xFFFFF000  }
0x3c: {  	_ =	swait.ge [sflag:s14], $0x1000  }
0x3d: {  	[sflag:s14] =	ssyncset.done $0x0  }
0x3e: {  	[sflag:s14] =	ssyncadd.s32 $0xFFFFF000  }
0x3f: {  	_ =	swait.ge [sflag:s14], $0x1000  }
0x40: {  	[sflag:s14] =	ssyncset.done $0x0  }
0x41: {  	[sflag:s14] =	ssyncadd.s32 $0xFFFFF000  }
0x42: {  	[hbm4b:s8+s3] =	stream.linear.scatter [tilespmem:s16], [sflag:$0x3], $0x5000, $0x38;
	[tilespmem:$0x1E700] =	vst v63  }
0x43: {  	_ =	swait.ge [sflag:s21], $0x1000  }
0x44: {  	[sflag:s21] =	ssyncset.done $0x0  }
0x45: {  	[sflag:s21] =	ssyncadd.s32 $0xFFFFF000  }
0x46: {  	_ =	swait.ge [sflag:s21], $0x1000  }
0x47: {  	[sflag:s21] =	ssyncset.done $0x0  }
0x48: {  	[sflag:s21] =	ssyncadd.s32 $0xFFFFF000  }
0x49: {  	_ =	swait.ge [sflag:s21], $0x1000  }
0x4a: {  	[sflag:s21] =	ssyncset.done $0x0  }
0x4b: {  	[sflag:s21] =	ssyncadd.s32 $0xFFFFF000  }
0x4c: {  	_ =	swait.ge [sflag:s21], $0x1000  }
0x4d: {  	[sflag:s21] =	ssyncset.done $0x0  }
0x4e: {  	[sflag:s21] =	ssyncadd.s32 $0xFFFFF000  }
0x4f: {  	_ =	swait.ge [sflag:s21], $0x1000  }
0x50: {  	[sflag:s21] =	ssyncset.done $0x0  }
0x51: {  	[sflag:s21] =	ssyncadd.s32 $0xFFFFF000  }
0x52: {  	[hbm4b:s9+s3] =	stream.linear.scatter [tilespmem:s26], [sflag:$0x4], $0x5000, $0x38;
	[tilespmem:$0x1E700] =	vst v63  }
0x53: {  	_ =	swait.ge [sflag:s23], $0x5000  }
0x54: {  	[sflag:s23] =	ssyncset.done $0x0  }
0x55: {  	s17 =	simm.s32 $0xE800;
	[sflag:s23] =	ssyncadd.s32 $0xFFFFB000  }
0x56: {  	[tilespmem:s16], [sflag:$0x1] =	stream.indirect.gather [spmem:s2], $0x20, s17, s15, $0xb8;
	[tilespmem:$0x1E700] =	vst v63  }
0x57: {  	s4 =	simm.s32 $0xE880  }
0x58: {  	[tilespmem:s18], [sflag:$0x1] =	stream.indirect.gather [spmem:s2], $0x20, s4, s15, $0xb8;
	[tilespmem:$0x1E700] =	vst v63  }
0x59: {  	s17 =	simm.s32 $0xE900  }
0x5a: {  	[tilespmem:s20], [sflag:$0x1] =	stream.indirect.gather [spmem:s2], $0x20, s17, s15, $0xb8;
	[tilespmem:$0x1E700] =	vst v63  }
0x5b: {  	s4 =	simm.s32 $0xE980  }
0x5c: {  	[tilespmem:s22], [sflag:$0x1] =	stream.indirect.gather [spmem:s2], $0x20, s4, s15, $0xb8;
	[tilespmem:$0x1E700] =	vst v63  }
0x5d: {  	s17 =	simm.s32 $0xEA00  }
0x5e: {  	[tilespmem:s24], [sflag:$0x1] =	stream.indirect.gather [spmem:s2], $0x20, s17, s15, $0xb8;
	[tilespmem:$0x1E700] =	vst v63  }
0x5f: {  	_ =	swait.ge [sflag:s25], $0x5000  }
0x60: {  	[sflag:s25] =	ssyncset.done $0x0  }
0x61: {  	s4 =	simm.s32 $0xEA80;
	[sflag:s25] =	ssyncadd.s32 $0xFFFFB000  }
0x62: {  	[tilespmem:s26], [sflag:$0x2] =	stream.indirect.gather [spmem:s2], $0x20, s4, s15, $0xb8;
	[tilespmem:$0x1E700] =	vst v63  }
0x63: {  	s17 =	simm.s32 $0xEB00  }
0x64: {  	[tilespmem:s29], [sflag:$0x2] =	stream.indirect.gather [spmem:s2], $0x20, s17, s15, $0xb8;
	[tilespmem:$0x1E700] =	vst v63  }
0x65: {  	s4 =	simm.s32 $0xEB80  }
0x66: {  	[tilespmem:s31], [sflag:$0x2] =	stream.indirect.gather [spmem:s2], $0x20, s4, s15, $0xb8;
	[tilespmem:$0x1E700] =	vst v63  }
0x67: {  	s17 =	simm.s32 $0xEC00  }
0x68: {  	[tilespmem:s0], [sflag:$0x2] =	stream.indirect.gather [spmem:s2], $0x20, s17, s15, $0xb8;
	[tilespmem:$0x1E700] =	vst v63  }
0x69: {  	s4 =	simm.s32 $0xEC80  }
0x6a: {  	[tilespmem:s19], [sflag:$0x2] =	stream.indirect.gather [spmem:s2], $0x20, s4, s15, $0xb8;
	[tilespmem:$0x1E700] =	vst v63  }
0x6b: {  	_ =	swait.ge [sflag:s14], $0x1000  }
0x6c: {  	[sflag:s14] =	ssyncset.done $0x0  }
0x6d: {  	[sflag:s14] =	ssyncadd.s32 $0xFFFFF000  }
0x6e: {  	_ =	swait.ge [sflag:s14], $0x1000  }
0x6f: {  	[sflag:s14] =	ssyncset.done $0x0  }
0x70: {  	[sflag:s14] =	ssyncadd.s32 $0xFFFFF000  }
0x71: {  	_ =	swait.ge [sflag:s14], $0x1000  }
0x72: {  	[sflag:s14] =	ssyncset.done $0x0  }
0x73: {  	[sflag:s14] =	ssyncadd.s32 $0xFFFFF000  }
0x74: {  	_ =	swait.ge [sflag:s14], $0x1000  }
0x75: {  	[sflag:s14] =	ssyncset.done $0x0  }
0x76: {  	[sflag:s14] =	ssyncadd.s32 $0xFFFFF000  }
0x77: {  	_ =	swait.ge [sflag:s14], $0x1000  }
0x78: {  	s17 =	rddreg [dreg:$0x4];
	[sflag:s14] =	ssyncset.done $0x0  }
0x79: {  	[sflag:s14] =	ssyncadd.s32 $0xFFFFF000;
	s1 =	sadd.s32 $0x0, s17  }
0x7a: {  	[hbm4b:s1+s3] =	stream.linear.scatter [tilespmem:s16], [sflag:$0x3], $0x5000, $0x38;
	[tilespmem:$0x1E700] =	vst v63  }
0x7b: {  	_ =	swait.ge [sflag:s21], $0x1000  }
0x7c: {  	[sflag:s21] =	ssyncset.done $0x0  }
0x7d: {  	[sflag:s21] =	ssyncadd.s32 $0xFFFFF000  }
0x7e: {  	_ =	swait.ge [sflag:s21], $0x1000  }
0x7f: {  	[sflag:s21] =	ssyncset.done $0x0  }
0x80: {  	[sflag:s21] =	ssyncadd.s32 $0xFFFFF000  }
0x81: {  	_ =	swait.ge [sflag:s21], $0x1000  }
0x82: {  	[sflag:s21] =	ssyncset.done $0x0  }
0x83: {  	[sflag:s21] =	ssyncadd.s32 $0xFFFFF000  }
0x84: {  	_ =	swait.ge [sflag:s21], $0x1000  }
0x85: {  	[sflag:s21] =	ssyncset.done $0x0  }
0x86: {  	[sflag:s21] =	ssyncadd.s32 $0xFFFFF000  }
0x87: {  	_ =	swait.ge [sflag:s21], $0x1000  }
0x88: {  	[sflag:s21] =	ssyncset.done $0x0  }
0x89: {  	s30 =	simm.s32 $0x1400;
	s1 =	sadd.s32 $0x0, s10;
	[sflag:s21] =	ssyncadd.s32 $0xFFFFF000  }
.LBB2_2:
0x8a: {  	[hbm4b:s1+s3] =	stream.linear.scatter [tilespmem:s26], [sflag:$0x4], $0x5000, $0x38;
	[tilespmem:$0x1E700] =	vst v63  }
0x8b: {  	s1 =	smov.u32 s30;
	_ =	swait.ge [sflag:s23], $0x5000  }
0x8c: {  	s17 =	sshra.s32 s1, $0x2;
	[sflag:s23] =	ssyncset.done $0x0  }
0x8d: {  	s4 =	sadd.s32 $0xE800, s17;
	[sflag:s23] =	ssyncadd.s32 $0xFFFFB000  }
0x8e: {  	[tilespmem:s16], [sflag:$0x1] =	stream.indirect.gather [spmem:s2], $0x20, s4, s15, $0xb8;
	[tilespmem:$0x1E700] =	vst v63  }
0x8f: {  	s4 =	sadd.s32 $0xE880, s17  }
0x90: {  	[tilespmem:s18], [sflag:$0x1] =	stream.indirect.gather [spmem:s2], $0x20, s4, s15, $0xb8;
	[tilespmem:$0x1E700] =	vst v63  }
0x91: {  	s4 =	sadd.s32 $0xE900, s17  }
0x92: {  	[tilespmem:s20], [sflag:$0x1] =	stream.indirect.gather [spmem:s2], $0x20, s4, s15, $0xb8;
	[tilespmem:$0x1E700] =	vst v63  }
0x93: {  	s4 =	sadd.s32 $0xE980, s17  }
0x94: {  	[tilespmem:s22], [sflag:$0x1] =	stream.indirect.gather [spmem:s2], $0x20, s4, s15, $0xb8;
	[tilespmem:$0x1E700] =	vst v63  }
0x95: {  	s4 =	sadd.s32 $0xEA00, s17  }
0x96: {  	[tilespmem:s24], [sflag:$0x1] =	stream.indirect.gather [spmem:s2], $0x20, s4, s15, $0xb8;
	[tilespmem:$0x1E700] =	vst v63  }
0x97: {  	_ =	swait.ge [sflag:s25], $0x5000  }
0x98: {  	[sflag:s25] =	ssyncset.done $0x0  }
0x99: {  	s4 =	sadd.s32 $0xEA80, s17;
	[sflag:s25] =	ssyncadd.s32 $0xFFFFB000  }
0x9a: {  	[tilespmem:s26], [sflag:$0x2] =	stream.indirect.gather [spmem:s2], $0x20, s4, s15, $0xb8;
	[tilespmem:$0x1E700] =	vst v63  }
0x9b: {  	s4 =	sadd.s32 $0xEB00, s17  }
0x9c: {  	[tilespmem:s29], [sflag:$0x2] =	stream.indirect.gather [spmem:s2], $0x20, s4, s15, $0xb8;
	[tilespmem:$0x1E700] =	vst v63  }
0x9d: {  	s4 =	sadd.s32 $0xEB80, s17  }
0x9e: {  	[tilespmem:s31], [sflag:$0x2] =	stream.indirect.gather [spmem:s2], $0x20, s4, s15, $0xb8;
	[tilespmem:$0x1E700] =	vst v63  }
0x9f: {  	s4 =	sadd.s32 $0xEC00, s17  }
0xa0: {  	[tilespmem:s0], [sflag:$0x2] =	stream.indirect.gather [spmem:s2], $0x20, s4, s15, $0xb8;
	[tilespmem:$0x1E700] =	vst v63  }
0xa1: {  	s17 =	sadd.s32 $0xEC80, s17  }
0xa2: {  	[tilespmem:s19], [sflag:$0x2] =	stream.indirect.gather [spmem:s2], $0x20, s17, s15, $0xb8;
	[tilespmem:$0x1E700] =	vst v63  }
0xa3: {  	_ =	swait.ge [sflag:s14], $0x1000  }
0xa4: {  	[sflag:s14] =	ssyncset.done $0x0  }
0xa5: {  	[sflag:s14] =	ssyncadd.s32 $0xFFFFF000  }
0xa6: {  	_ =	swait.ge [sflag:s14], $0x1000  }
0xa7: {  	[sflag:s14] =	ssyncset.done $0x0  }
0xa8: {  	[sflag:s14] =	ssyncadd.s32 $0xFFFFF000  }
0xa9: {  	_ =	swait.ge [sflag:s14], $0x1000  }
0xaa: {  	[sflag:s14] =	ssyncset.done $0x0  }
0xab: {  	[sflag:s14] =	ssyncadd.s32 $0xFFFFF000  }
0xac: {  	_ =	swait.ge [sflag:s14], $0x1000  }
0xad: {  	[sflag:s14] =	ssyncset.done $0x0  }
0xae: {  	[sflag:s14] =	ssyncadd.s32 $0xFFFFF000  }
0xaf: {  	_ =	swait.ge [sflag:s14], $0x1000  }
0xb0: {  	s17 =	rddreg [dreg:$0x4];
	[sflag:s14] =	ssyncset.done $0x0  }
0xb1: {  	[sflag:s14] =	ssyncadd.s32 $0xFFFFF000;
	s4 =	sadd.s32 s1, s17  }
0xb2: {  	[hbm4b:s4+s3] =	stream.linear.scatter [tilespmem:s16], [sflag:$0x3], $0x5000, $0x38;
	[tilespmem:$0x1E700] =	vst v63  }
0xb3: {  	_ =	swait.ge [sflag:s21], $0x1000  }
0xb4: {  	[sflag:s21] =	ssyncset.done $0x0  }
0xb5: {  	[sflag:s21] =	ssyncadd.s32 $0xFFFFF000  }
0xb6: {  	_ =	swait.ge [sflag:s21], $0x1000  }
0xb7: {  	[sflag:s21] =	ssyncset.done $0x0  }
0xb8: {  	[sflag:s21] =	ssyncadd.s32 $0xFFFFF000  }
0xb9: {  	_ =	swait.ge [sflag:s21], $0x1000  }
0xba: {  	[sflag:s21] =	ssyncset.done $0x0  }
0xbb: {  	[sflag:s21] =	ssyncadd.s32 $0xFFFFF000  }
0xbc: {  	p0 =	sne.s32 s30, $0x16800;
	_ =	swait.ge [sflag:s21], $0x1000  }
.Ltmp0:
0xbd: {  	[sflag:s21] =	ssyncset.done $0x0;
	(pc) =	sbr.rel @p0 .LBB2_2-.Ltmp0, $4  }
0xbe: {  	[sflag:s21] =	ssyncadd.s32 $0xFFFFF000  }
0xbf: {  	_ =	swait.ge [sflag:s21], $0x1000  }
0xc0: {  	[sflag:s21] =	ssyncset.done $0x0  }
0xc1: {  	s30 =	sadd.s32 $0x1400, s30;
	s1 =	sadd.s32 s1, s10;
	[sflag:s21] =	ssyncadd.s32 $0xFFFFF000  }
0xc2: {  	[hbm4b:s1+s3] =	stream.linear.scatter [tilespmem:s26], [sflag:$0x4], $0x5000, $0x38;
	[tilespmem:$0x1E700] =	vst v63  }
0xc3: {  	s28 =	sadd.s32 $0x1, s28  }
0xc4: {  	_ =	swait.ge [sflag:s23], $0x5000;
	p0 =	sne.s32 s28, s7  }
.Ltmp1:
0xc5: {  	[sflag:s23] =	ssyncset.done $0x0;
	(pc) =	sbr.rel @p0 .LBB2_1-.Ltmp1, $4  }
0xc6: {  	[sflag:s23] =	ssyncadd.s32 $0xFFFFB000  }
0xc7: {  	_ =	swait.ge [sflag:s25], $0x5000  }
0xc8: {  	[sflag:s25] =	ssyncset.done $0x0  }
0xc9: {  	[sflag:s25] =	ssyncadd.s32 $0xFFFFB000  }
0xca: {  	_ =	sfence.sel $0x180000  }
0xcb: {  	[bflag:$0x0] =	sbarrier.arrive $0xFFFF  }
0xcc: {  	_ =	strace $0x90000047  }
0xcd: {  	s0 =	stileid.u32;
	[bflag:$0x2] =	sbarrier.arrive $0xFFFF  }
0xce: {  	p0 =	sne.s32 s0, $0x0;
	s0 =	rddreg [dreg:$0x3]  }
0xcf: {  	s0 =	sadd.s32 @!p0 $0x100000, s0  }
0xd0: {  	[sflag:s0] =	ssyncadd.tile.s32 @!p0 $0x1;
	_ =	shalt  }
.Lfunc_end2:
_tile_overlayer_lowered:
.L_overlay_start_2:
0xd1: {  	(tag) =	ssettag $0x2  }
0xd2: {  	s0 =	rddreg [dreg:$0x0];
	s2 =	stileid.u32  }
0xd3: {  	s1 =	rddreg [dreg:$0x1];
	p0 =	sne.s32 s2, $0x0  }
0xd4: {  	s3 =	rddreg [dreg:$0x2];
	[bflag:$0x3] =	sbarrier.arrive $0xFFFF;
	s2 =	simm.s32 @!p0 $0x1C05  }
0xd5: {  	[timem:s3], [sflag:s2] =	dma.local @!p0 [hbm:s0], s1  }
0xd6: {  	s0 =	simm.s32 @!p0 $0x5  }
0xd7: {  	_ =	swait.ge @!p0 [sflag:s0], s1  }
0xd8: {  	s1 =	ssub.s32 @!p0 $0x0, s1;
	[sflag:s0] =	ssyncset.done @!p0 $0x0  }
0xd9: {  	[sflag:s0] =	ssyncadd.s32 @!p0 s1  }
0xda: {  	[bflag:$0x3] =	sbarrier.arrive $0xFFFF  }
0xdb: {  	_ =	shalt  }

// kernel: sparse-core-data-format-call.cloned.1.call-start
scs
called_computation_lowered:
.L_overlay_start_0:
0x0: {  	s2 =	sld [smem:$0x3FD9]  }
0x1: {  	s3 =	sld [smem:$0x3FFE];
	_ =	sdelay $0x1  }
0x2: {  	s1 =	srdreg.scid  }
0x3: {  	s0 =	sand.u32 $0x1, s1  }
0x4: {  	s18 =	sshll.u32 s0, $0xA;
	s2 =	sadd.s32 s3, s2  }
0x5: {  	s2 =	sadd.s32 s2, s18  }
0x6: {  	[smem:$0x3FC6] =	sst s2  }
0x7: {  	_ = 	snop  }
0x8: {  	s2 =	sld [smem:$0x3FD0];
	(tm) =	ssettm $0x1  }
0x9: {  	s19 =	sld [smem:$0x3FFB];
	_ =	sdelay $0x3  }
0xa: {  	_ =	strace s19  }
0xb: {  	s3 =	sld [smem:$0x3FFC];
	_ =	sdelay $0x3  }
0xc: {  	_ =	strace s3  }
0xd: {  	s3 =	sld [smem:$0x3FFD];
	_ =	sdelay $0x3  }
0xe: {  	_ =	strace s3  }
0xf: {  	_ =	strace $0x8FFFFFFF  }
0x10: {  	s20 =	sld [smem:$0x3FDB];
	_ =	sdelay $0x1  }
0x11: {  	s4 =	simm.s32 $_scs_section_size  }
0x12: {  	s5 =	simm.s32 $_size__tile_overlayer_lowered;
	s6 =	simm.s32 $_tile_overlayer_lowered  }
0x13: {  	s23 =	simm.s32 $0x1BFF;
	s22 =	sshll.u32 s6, $0x1;
	s3 =	sadd.s32 s4, s20  }
0x14: {  	s7 =	simm.s32 $0x0;
	s21 =	sshll.u32 s5, $0x1;
	s5 =	sadd.s32 s22, s3  }
0x15: {  	[timem:s7], [sflag:s23] =	dma.local [hbm:s5], s21  }
0x16: {  	_ =	swait.ge [sflag:s23], s21  }
0x17: {  	s4 =	ssub.s32 $0x0, s21;
	[sflag:s23] =	ssyncset.done $0x0  }
0x18: {  	[sflag:s23] =	ssyncadd.s32 s4;
	_ =	sdelay $0x1  }
0x19: {  	s24 =	simm.s32 $0x1B8B  }
0x1a: {  	_ =	swait.ge [sflag:s24], $0x1  }
0x1b: {  	[sflag:s24] =	ssyncset.done $0x0  }
0x1c: {  	s26 =	simm.s32 $0x1B8E;
	s25 =	sld [smem:$0x3FFE];
	[sflag:s24] =	ssyncadd.s32 $0xFFFFFFFF  }
0x1d: {  	s27 =	simm.s32 $execute0_lowered;
	[smem:$0x3FD2] =	sst s26  }
0x1e: {  	s5 =	sshll.u32 s27, $0x1;
	_ =	strace $0x80000049;
	[dreg:$0x1] =	wrdreg $0xFFFFFFFF  }
0x1f: {  	s28 =	simm.s32 $_size_execute0_lowered;
	s3 =	sadd.s32 s3, s5;
	[dreg:$0x0] =	wrdreg $0x0  }
0x20: {  	s5 =	sshll.u32 s28, $0x1;
	[dreg:$0x2] =	wrdreg s3  }
0x21: {  	[dreg:$0x3] =	wrdreg s5  }
0x22: {  	[dreg:$0x4] =	wrdreg $0xC0  }
0x23: {  	_ =	task [dreg:s7], $0x5FFFF  }
0x24: {  	[dreg:$0x1] =	wrdreg $0xFFFFFFFF  }
0x25: {  	[dreg:$0x0] =	wrdreg $0x60  }
0x26: {  	[dreg:$0x2] =	wrdreg s25  }
0x27: {  	[dreg:$0x3] =	wrdreg s2  }
0x28: {  	[dreg:$0x4] =	wrdreg $0x9  }
0x29: {  	_ =	task.clear_ibuf [dreg:s7], $0x5FFFF;
	_ =	strace $0x90000049  }
0x2a: {  	s29 =	simm.s32 $0x9;
	_ =	strace $0x8000004B  }
0x2b: {  	_ =	swait.ge [sflag:s29], $0x1  }
0x2c: {  	[sflag:s29] =	ssyncadd.s32 $0xFFFFFFFF  }
0x2d: {  	_ =	strace $0x9000004B  }
0x2e: {  	_ =	sfence  }
0x2f: {  	s30 =	sld [smem:$0x0];
	_ =	sdelay $0x2  }
0x30: {  	s31 =	sshll.u32 s1, $0xD;
	s1 =	sshrl.u32 s1, $0x2  }
0x31: {  	s3 =	sand.u32 $0x4000, s31;
	s1 =	sadd.s32 s1, s30  }
0x32: {  	s0 =	sor.u32 s3, s0;
	s1 =	sshll.u32 s1, $0x11  }
0x33: {  	s0 =	sor.u32 s1, s0  }
0x34: {  	s0 =	sadd.s32 $0x8F2B, s0  }
0x35: {  	[sflag:s0] =	ssyncadd.remote.s32 $0x1  }
0x36: {  	_ =	sfence.sel $0xFFFF  }
0x37: {  	[dreg:$0x0] =	wrdreg $0xFFFFFFFF;
	(pc) =	sbr.abs _section_cstart, $3  }
0x38: {  	[dreg:$0x1] =	wrdreg $0xFFFFFFFF  }
0x39: {  	_ =	task.clear_ibuf [dreg:s7], $0x2FFFF;
	_ =	strace $0x9FFFFFFF  }
0x3a: {  	(tm) =	ssettm $0x7FFFFFFF  }
0x3b: {  	_ =	shalt  }
tec
execute0_lowered:
.L_overlay_start_1:
0x0: {  	(tag) =	ssettag $0x1  }
0x1: {  	s0 =	srdreg.scid  }
0x2: {  	s1 =	sshll.u32 s0, $0x4  }
0x3: {  	s0 =	stileid.u32;
	s1 =	sand.u32 $0x10, s1  }
0x4: {  	s1 =	sor.u32 s0, s1  }
0x5: {  	s6 =	rddreg [dreg:$0x0];
	s4 =	simm.s32 $0x1;
	s2 =	sshll.u32 s1, $0x7  }
0x6: {  	s7 =	simm.s32 $0x2;
	s12 =	simm.s32 $0x0;
	s1 =	ssub.s32 $0x1000, s2  }
0x7: {  	s8 =	simm.s32 $0x8000;
	s13 =	simm.s32 $0x0;
	s3 =	sand.u32 $0xF80, s1  }
0x8: {  	s9 =	simm.s32 $0x0;
	s5 =	sshrl.u32 s1, $0xC;
	p0 =	sne.s32 s3, $0x0  }
.Ltmp0:
0x9: {  	s1 =	rddreg [dreg:$0x2];
	s4 =	simm.s32 @!p0 $0x0;
	(pc) =	sbr.rel .LBB1_1-.Ltmp0, $4  }
0xa: {  	s11 =	simm.s32 $0x0;
	s3 =	rddreg [dreg:$0x1];
	s5 =	sadd.s32 s4, s5  }
0xb: {  	_ =	strace $0x8000004A;
	s4 =	simm.s32 $0x1;
	s5 =	smul.u32 $0xC8, s5  }
0xc: {  	s6 =	sadd.s32 $0xA00, s6;
	s10 =	smov.u32 s2;
	[sflag:s4] =	ssyncpa.u1 $0x0  }
0xd: {  	p0 =	por $0x0, $0x0;
	[sflag:s7] =	ssyncpa.u1 $0x0;
	s7 =	sor.u32 $0x1, s5  }
.LBB1_4:
0xe: {  	s16 =	sshll.u32 s13, $0x3;
	s17 =	sand.u32 $0x78, s13  }
0xf: {  	s30 =	sand.u32 $0x3E00, s13;
	s12 =	sshll.u32 s12, $0xE;
	s16 =	sand.u32 $0xC00, s16  }
0x10: {  	s31 =	sand.u32 $0x7, s13;
	s16 =	sor.u32 s17, s16;
	s17 =	sadd.s32 s3, s30  }
0x11: {  	s13 =	sshll.u32 s31, $0x12;
	s16 =	sshrl.u32 s16, $0x3;
	s12 =	sadd.s32 s12, s17  }
0x12: {  	[tilespmem:s15+$0x0 ss:$0x81] =	vst.msk $0xffff, v0;
	s13 =	sor.u32 $0x400, s13;
	s12 =	sadd.s32 s16, s12  }
0x13: {  	[hbm4b:s12+s13] =	stream.strided.scatter [tilespmem:s14], [sflag:$0x2], $0x1000, s8, s13, $0x20;
	[tilespmem:$0x4040] =	vst v63  }
.LBB1_5:
0x14: {  	s14 =	sadd.s32 $0x1, s9  }
0x15: {  	s12 =	sadd.s32 $0x1000, s10;
	s16 =	smov.u32 s10;
	p2 =	sgt.s32 s14, $0xC7  }
0x16: {  	s16 =	smov.u32 @p2 s12  }
0x17: {  	s14 =	simm.s32 @p2 $0x0;
	p2 =	sgt.s32 s16, $0xFFF  }
0x18: {  	s16 =	smov.u32 @p2 s2;
	p2 =	sne.s32 s11, s7  }
.Ltmp1:
0x19: {  	p1 =	slt.u32 s11, $0x2;
	(pc) =	sbr.rel @!p2 .LBB1_6-.Ltmp1, $4  }
0x1a: {  	s15 =	simm.s32 @!p1 $0x2  }
0x1b: {  	s13 =	smov.u32 s10;
	p0 =	por !p0, !p0;
	_ =	swait.ge @!p1 [sflag:s15], $0x1000  }
0x1c: {  	s12 =	smov.u32 s9;
	[sflag:s15] =	ssyncset.done @!p1 $0x0;
	s9 =	smov.u32 s14  }
0x1d: {  	s11 =	sadd.s32 $0x1, s11;
	[sflag:s15] =	ssyncadd.s32 @!p1 $0xFFFFF000;
	s10 =	smov.u32 s16  }
.LBB1_1:
0x1e: {  	p1 =	sge.u32 s11, s5  }
0x1f: {  	s14 =	sand.u32 @!p1 $0x1FFFFFF, s9  }
0x20: {  	s15 =	smulhi.u32 @!p1 $0x147AE15, s14;
	_ =	sdelay $0x1  }
0x21: {  	s15 =	smul.u32 @!p1 $0xC8, s15  }
0x22: {  	s16 =	sxor.u32 @!p1 $0xFFFFFFFF, s11;
	s17 =	smul.u32 @!p1 $0xC80, s10  }
0x23: {  	s31 =	sadd.s32 $0xFFFFFFFF, s11;
	s16 =	sshll.u32 @!p1 s16, $0xC;
	s14 =	ssub.s32 @!p1 s14, s15  }
0x24: {  	s15 =	sand.u32 @!p1 $0x1000, s16;
	s16 =	sadd.s32 @!p1 s6, s17;
	s14 =	sshll.u32 @!p1 s14, $0x4  }
0x25: {  	s17 =	simm.s32 @!p1 $0x6400;
	s14 =	sadd.s32 @!p1 s14, s16;
	s16 =	simm.s32 @!p1 $0x20  }
0x26: {  	[tilespmem:s15], [sflag:$0x1] =	stream.strided.gather @!p1 [hbm4b:s14+s16], $0x1000, s17, s16, $0x38;
	[tilespmem:$0x4040] =	vst v63  }
0x27: {  	p1 =	sge.u32 s31, s5  }
.Ltmp2:
0x28: {  	_ = 	snop;
	(pc) =	sbr.rel @p1 .LBB1_5-.Ltmp2, $1  }
0x29: {  	_ =	sdelay $0x3  }
0x2a: {  	s14 =	simm.s32 $0x1  }
0x2b: {  	_ =	swait.ge [sflag:s4], $0x1000;
	s14 =	simm.s32 @!p0 $0x0  }
0x2c: {  	[sflag:s4] =	ssyncset.done $0x0;
	s15 =	sshll.u32 s14, $0xC  }
0x2d: {  	[sflag:s4] =	ssyncadd.s32 $0xFFFFF000;
	s18 =	sor.u32 $0x10, s15  }
0x2e: {  	s14 =	smul.u32 $0x4080, s14;
	v1 =	vld [tilespmem:s18+$0x0]  }
0x2f: {  	s30 =	sand.u32 $0x1, s11;
	v0 =	vld [tilespmem:s18+$0xFFFFFFF0]  }
0x30: {  	s15 =	smul.u32 $0x4080, s30;
	s14 =	sshrl.u32 s14, $0x2  }
0x31: {  	s16 =	sor.u32 $0x2000, s14  }
0x32: {  	s31 =	sshrl.u32 s15, $0x2;
	s15 =	sadd.s32 $0x0, s16  }
0x33: {  	s17 =	simm.s32 $0x4;
	s18 =	sadd.s32 $0x20, s18;
	s14 =	sor.u32 $0x2000, s31;
	[tilespmem:s15+$0x810 ss:$0x81] =	vst.msk $0xffff, v1  }
.LBB1_3:
0x34: {  	v1 =	vld [tilespmem:s18+$0x0];
	p1 =	sne.s32 s17, $0x1FC;
	[tilespmem:s15+$0x0 ss:$0x81] =	vst.msk $0xffff, v0;
	s15 =	smov.u32 s17;
	s17 =	sadd.s32 $0x4, s17  }
.Ltmp3:
0x35: {  	v0 =	vld [tilespmem:s18+$0xFFFFFFF0];
	(pc) =	sbr.rel @p1 .LBB1_3-.Ltmp3, $4  }
0x36: {  	_ = 	snop  }
0x37: {  	s15 =	sshra.s32 s15, $0x2  }
0x38: {  	s15 =	sadd.s32 s15, s16  }
0x39: {  	s18 =	sadd.s32 $0x20, s18;
	[tilespmem:s15+$0x810 ss:$0x81] =	vst.msk $0xffff, v1  }
.Ltmp4:
0x3a: {  	_ = 	snop;
	(pc) =	sbr.rel .LBB1_4-.Ltmp4, $1  }
0x3b: {  	_ =	sdelay $0x3  }
.LBB1_6:
0x3c: {  	_ =	sfence.sel $0x180000  }
0x3d: {  	s2 =	simm.s32 $0x1;
	[bflag:$0x0] =	sbarrier.arrive $0xFFFF  }
0x3e: {  	s31 =	simm.s32 $0x2;
	[sflag:s2] =	ssyncpa.u1 $0x1  }
0x3f: {  	[sflag:s31] =	ssyncpa.u1 $0x1  }
0x40: {  	p0 =	sne.s32 s0, $0x0;
	_ =	strace $0x9000004A  }
0x41: {  	s0 =	sadd.s32 @!p0 $0x100000, s1;
	[bflag:$0x2] =	sbarrier.arrive $0xFFFF  }
0x42: {  	[sflag:s0] =	ssyncadd.tile.s32 @!p0 $0x1;
	_ =	shalt  }
.Lfunc_end1:
_tile_overlayer_lowered:
.L_overlay_start_2:
0x43: {  	(tag) =	ssettag $0x2  }
0x44: {  	s0 =	rddreg [dreg:$0x0];
	s2 =	stileid.u32  }
0x45: {  	s1 =	rddreg [dreg:$0x1];
	p0 =	sne.s32 s2, $0x0  }
0x46: {  	s3 =	rddreg [dreg:$0x2];
	[bflag:$0x3] =	sbarrier.arrive $0xFFFF;
	s2 =	simm.s32 @!p0 $0x1C01  }
0x47: {  	[timem:s3], [sflag:s2] =	dma.local @!p0 [hbm:s0], s1  }
0x48: {  	s0 =	simm.s32 @!p0 $0x1  }
0x49: {  	_ =	swait.ge @!p0 [sflag:s0], s1  }
0x4a: {  	s1 =	ssub.s32 @!p0 $0x0, s1;
	[sflag:s0] =	ssyncset.done @!p0 $0x0  }
0x4b: {  	[sflag:s0] =	ssyncadd.s32 @!p0 s1  }
0x4c: {  	[bflag:$0x3] =	sbarrier.arrive $0xFFFF  }
0x4d: {  	_ =	shalt  }

</sc_bundles>
